<compile_context>
chip_gen: v7x
topology: tpu7x:2x2x1
jax: 0.10.2.dev20260603
libtpu: 0.0.44.dev20260713+nightly
codegen_flags: <defaults>
</compile_context>

<pallas_src>
import jax
import jax.numpy as jnp
from jax import lax
from jax.experimental import pallas as pl
from jax.experimental.pallas import tpu as pltpu
from jax.experimental.pallas import tpu_sc as plsc

B, N, M, K, C = 4, 8192, 2048, 32, 128
RADIUS = 0.2
R2 = RADIUS * RADIUS
INV_R = 1.0 / RADIUS
L = 16
SB = 8
NSTEP = N // L
NW = 32
MPW = (B * M) // NW
CPB = M // MPW


def _sc_ball_gather():
    mesh = plsc.VectorSubcoreMesh(core_axis_name="c", subcore_axis_name="s",
                                  num_cores=2, num_subcores=16)
    out_type = (
        jax.ShapeDtypeStruct((B * M, K, C), jnp.float32),
        jax.ShapeDtypeStruct((B * 3 * M * K,), jnp.float32),
    )
    scratch = [
        pltpu.VMEM((N,), jnp.float32),
        pltpu.VMEM((N,), jnp.float32),
        pltpu.VMEM((N,), jnp.float32),
        pltpu.VMEM((N,), jnp.float32),
        pltpu.VMEM((N,), jnp.float32),
        pltpu.VMEM((N,), jnp.float32),
        pltpu.VMEM((N,), jnp.float32),
        pltpu.VMEM((MPW,), jnp.float32),
        pltpu.VMEM((MPW,), jnp.float32),
        pltpu.VMEM((MPW,), jnp.float32),
        pltpu.VMEM((K + SB * L,), jnp.int32),
        pltpu.VMEM((3, K), jnp.int32),
        pltpu.VMEM((3, K, C), jnp.float32),
        pltpu.VMEM((MPW * K,), jnp.float32),
        pltpu.VMEM((MPW * K,), jnp.float32),
        pltpu.VMEM((MPW * K,), jnp.float32),
        pltpu.SemaphoreType.DMA,
        pltpu.SemaphoreType.DMA,
    ]

    def body(pc_hbm, cc_hbm, ft_hbm, outf_hbm, outc_hbm,
             xr, yr, zr, p2r, xbr, ybr, zbr, ccx, ccy, ccz, selr, idxr, rowsr,
             cbx, cby, cbz, gsem, osem):
        wid = lax.axis_index("s") * 2 + lax.axis_index("c")
        b = wid // CPB
        m0 = (wid % CPB) * MPW
        pltpu.sync_copy(pc_hbm.at[pl.ds((b * 3 + 0) * N, N)], xr)
        pltpu.sync_copy(pc_hbm.at[pl.ds((b * 3 + 1) * N, N)], yr)
        pltpu.sync_copy(pc_hbm.at[pl.ds((b * 3 + 2) * N, N)], zr)
        pltpu.sync_copy(cc_hbm.at[pl.ds((b * 3 + 0) * M + m0, MPW)], ccx)
        pltpu.sync_copy(cc_hbm.at[pl.ds((b * 3 + 1) * M + m0, MPW)], ccy)
        pltpu.sync_copy(cc_hbm.at[pl.ds((b * 3 + 2) * M + m0, MPW)], ccz)
        lanes = lax.iota(jnp.int32, L)

        def bf16_round(v):
            bits = plsc.bitcast(v, jnp.uint32)
            r = bits + jnp.uint32(0x7FFF) + ((bits >> 16) & jnp.uint32(1))
            return plsc.bitcast(r & jnp.uint32(0xFFFF0000), jnp.float32)

        def p2_body(i, carry):
            off = pl.multiple_of(i * L, L)
            px = xr[pl.ds(off, L)]
            py = yr[pl.ds(off, L)]
            pz = zr[pl.ds(off, L)]
            p2r[pl.ds(off, L)] = (px * px + py * py) + pz * pz
            xbr[pl.ds(off, L)] = bf16_round(px)
            ybr[pl.ds(off, L)] = bf16_round(py)
            zbr[pl.ds(off, L)] = bf16_round(pz)
            return carry

        lax.fori_loop(0, NSTEP, p2_body, 0)

        def centroid_body(ml, carry):
            mlv = jnp.zeros((L,), jnp.int32) + ml
            cx = plsc.load_gather(ccx, [mlv])
            cy = plsc.load_gather(ccy, [mlv])
            cz = plsc.load_gather(ccz, [mlv])
            c2 = (cx * cx + cy * cy) + cz * cz
            cxb = bf16_round(cx)
            cyb = bf16_round(cy)
            czb = bf16_round(cz)

            def cond(st):
                i, curv = st
                return jnp.logical_and(curv[0] < K, i < NSTEP)

            def scan_block(st):
                i, curv = st
                msks, prefs = [], []
                for j in range(SB):
                    off = pl.multiple_of((i + j) * L, L)
                    px = xbr[pl.ds(off, L)]
                    py = ybr[pl.ds(off, L)]
                    pz = zbr[pl.ds(off, L)]
                    p2 = p2r[pl.ds(off, L)]
                    cross = (cxb * px + cyb * py) + czb * pz
                    d2 = (c2 + p2) - 2.0 * cross
                    msks.append(d2 < R2)
                    prefs.append(plsc.cumsum(jnp.where(msks[-1], 1, 0)))
                for j in range(SB):
                    pos = curv + (prefs[j] - 1)
                    plsc.store_scatter(selr, [pos], lanes + (i + j) * L,
                                       mask=msks[j])
                    curv = curv + plsc.all_reduce_population_count(msks[j])
                return i + SB, curv

            _, curv = lax.while_loop(cond, scan_block,
                                     (jnp.int32(0), jnp.zeros((L,), jnp.int32)))
            nsel = jnp.minimum(curv[0], K)
            v0 = jnp.where(lanes < nsel, selr[0:L], 0)
            v1 = jnp.where(lanes + L < nsel, selr[L:K], 0)
            gx0 = plsc.load_gather(xr, [v0])
            gx1 = plsc.load_gather(xr, [v1])
            gy0 = plsc.load_gather(yr, [v0])
            gy1 = plsc.load_gather(yr, [v1])
            gz0 = plsc.load_gather(zr, [v0])
            gz1 = plsc.load_gather(zr, [v1])
            mo = ml * K
            cbx[pl.ds(mo, L)] = (gx0 - cx) * INV_R
            cbx[pl.ds(mo + L, L)] = (gx1 - cx) * INV_R
            cby[pl.ds(mo, L)] = (gy0 - cy) * INV_R
            cby[pl.ds(mo + L, L)] = (gy1 - cy) * INV_R
            cbz[pl.ds(mo, L)] = (gz0 - cz) * INV_R
            cbz[pl.ds(mo + L, L)] = (gz1 - cz) * INV_R
            p = lax.rem(ml, 3)
            q = lax.rem(ml + 1, 3)
            idxr[p, 0:L] = v0 + b * N
            idxr[p, L:K] = v1 + b * N
            bm = b * M + m0 + ml

            @pl.when(ml >= 3)
            def _wait_scatter():
                pltpu.make_async_copy(rowsr.at[p], outf_hbm.at[bm - 3],
                                      osem).wait()

            pltpu.async_copy(ft_hbm.at[idxr.at[p]], rowsr.at[p], gsem)

            @pl.when(ml >= 2)
            def _drain_prev():
                pltpu.make_async_copy(ft_hbm.at[idxr.at[q]],
                                      rowsr.at[q], gsem).wait()
                pltpu.async_copy(rowsr.at[q], outf_hbm.at[bm - 2], osem)

            return carry

        lax.fori_loop(0, MPW, centroid_body, 0)
        bm_last = b * M + m0 + MPW - 1
        p_last = (MPW - 1) % 3
        p_prev = (MPW - 2) % 3
        pltpu.make_async_copy(ft_hbm.at[idxr.at[p_prev]], rowsr.at[p_prev],
                              gsem).wait()
        pltpu.async_copy(rowsr.at[p_prev], outf_hbm.at[bm_last - 1], osem)
        pltpu.make_async_copy(ft_hbm.at[idxr.at[p_last]], rowsr.at[p_last],
                              gsem).wait()
        pltpu.async_copy(rowsr.at[p_last], outf_hbm.at[bm_last], osem)
        pltpu.make_async_copy(rowsr.at[(MPW - 3) % 3],
                              outf_hbm.at[bm_last - 2], osem).wait()
        pltpu.make_async_copy(rowsr.at[p_prev], outf_hbm.at[bm_last - 1],
                              osem).wait()
        pltpu.make_async_copy(rowsr.at[p_last], outf_hbm.at[bm_last],
                              osem).wait()
        pltpu.sync_copy(cbx,
                        outc_hbm.at[pl.ds(((b * 3 + 0) * M + m0) * K, MPW * K)])
        pltpu.sync_copy(cby,
                        outc_hbm.at[pl.ds(((b * 3 + 1) * M + m0) * K, MPW * K)])
        pltpu.sync_copy(cbz,
                        outc_hbm.at[pl.ds(((b * 3 + 2) * M + m0) * K, MPW * K)])

    return pl.kernel(body, out_type=out_type, mesh=mesh,
                     scratch_types=scratch,
                     compiler_params=pltpu.CompilerParams(
                         needs_layout_passes=False))


BM = 256


def _tc_assemble():
    def body(coord_ref, feat_ref, out_ref):
        f = feat_ref[0]
        ft = f.reshape(BM * K, C).T
        out_ref[0] = jnp.concatenate([coord_ref[0], ft], axis=0)

    return pl.pallas_call(
        body,
        grid=(B, M // BM),
        in_specs=[
            pl.BlockSpec((1, 3, BM * K), lambda b, j: (b, 0, j)),
            pl.BlockSpec((1, BM, K, C), lambda b, j: (b, j, 0, 0)),
        ],
        out_specs=pl.BlockSpec((1, 3 + C, BM * K), lambda b, j: (b, 0, j)),
        out_shape=jax.ShapeDtypeStruct((B, 3 + C, M * K), jnp.float32),
        compiler_params=pltpu.CompilerParams(
            dimension_semantics=("parallel", "parallel")),
    )


def kernel(point_coord, centroid_coord, features):
    pc_t = jnp.transpose(point_coord, (0, 2, 1)).reshape(B * 3 * N)
    cc_t = jnp.transpose(centroid_coord, (0, 2, 1)).reshape(B * 3 * M)
    ft = jnp.transpose(features, (0, 2, 1)).reshape(B * N, C)
    outf, outc = _sc_ball_gather()(pc_t, cc_t, ft)
    outf = outf.reshape(B, M, K, C)
    outc = outc.reshape(B, 3, M * K)
    return _tc_assemble()(outc, outf).reshape(B, 3 + C, M, K)

# --- scband reference (transcript-rebuilt; emitter-appended) ---
"""Pipeline reference for scband-grouping-layer-58136677318895 (READ-ONLY COPY).

The authoritative reference and input builder live on the scoring server;
editing this copy changes nothing except your own understanding.
"""

import jax, jax.numpy as jnp
import numpy as np

B, N, M, KNN, C = 4, 8192, 2048, 32, 128
RADIUS = 0.2


def ball_query(point_coord, centroid_coord, radius, max_num_cluster):
    # point_coord: (B, N, 3); centroid_coord: (B, M, 3)
    c2 = jnp.sum(centroid_coord ** 2, axis=-1)                      # (B, M)
    p2 = jnp.sum(point_coord ** 2, axis=-1)                          # (B, N)
    cross = jnp.einsum('bmd,bnd->bmn', centroid_coord, point_coord)  # (B, M, N)
    dist2 = c2[:, :, None] + p2[:, None, :] - 2.0 * cross            # (B, M, N)
    mask = dist2 < radius ** 2
    # Torch loop takes the first `max_num_cluster` in-radius points in index order,
    # padding unfilled slots with 0. Stable argsort of (~mask) puts in-radius
    # points first, preserving original index order among them.
    order_key = jnp.where(mask, 0, 1).astype(jnp.int32)
    sorted_idx = jnp.argsort(order_key, axis=-1, stable=True)        # (B, M, N)
    idx = sorted_idx[..., :max_num_cluster]                          # (B, M, K)
    count = jnp.sum(mask, axis=-1)                                   # (B, M)
    slot = jnp.arange(max_num_cluster)
    indices = jnp.where(slot[None, None, :] < count[..., None], idx, 0)
    return indices


def grouper(features, indices):
    # features: (B, C, N); indices: (B, M, K) -> (B, C, M, K)
    return jax.vmap(lambda f, i: jnp.take(f, i, axis=1))(features, indices)


def setup_inputs(seed: int = 0):
    key = jax.random.key(seed)
    k1, k2, k3 = jax.random.split(key, 3)
    point_coord = jax.random.uniform(k1, (B, N, 3), dtype=jnp.float32)
    centroid_coord = jax.random.uniform(k2, (B, M, 3), dtype=jnp.float32)
    features = jax.random.normal(k3, (B, C, N), dtype=jnp.float32)
    return {"point_coord": point_coord, "centroid_coord": centroid_coord, "features": features}


def reference(point_coord, centroid_coord, features):
    indices = ball_query(point_coord, centroid_coord, RADIUS, KNN)
    indices = jax.lax.stop_gradient(indices)
    # grouped coords: (B, 3, M, K)
    grouped_coord = grouper(jnp.transpose(point_coord, (0, 2, 1)), indices)
    grouped_coord = grouped_coord - jnp.transpose(centroid_coord, (0, 2, 1))[..., None]
    grouped_coord = grouped_coord / RADIUS  # normalize_coord=True
    # grouped features: (B, C, M, K)
    grouped_features = grouper(features, indices)
    # use_coord=True -> concat along channel dim: (B, C+3, M, K)
    out = jnp.concatenate([grouped_coord, grouped_features], axis=1)
    return out

if __name__ == "__main__":
    import jax
    _d = setup_inputs()
    print(jax.jit(kernel)(*tuple(_d.values())))

</pallas_src>

<mosaic_0001>
#map = affine_map<(d0, d1) -> (0)>
#map1 = affine_map<(d0, d1) -> (0, 0)>
#map2 = affine_map<(d0, d1) -> (0, 0, 0)>
module attributes {stable_mosaic.version = 14 : i64} {
  func.func @body(%arg0: i32, %arg1: i32, %arg2: memref<98304xf32, #tpu.memory_space<hbm>>, %arg3: memref<24576xf32, #tpu.memory_space<hbm>>, %arg4: memref<32768x128xf32, #tpu.memory_space<hbm>>, %arg5: memref<8192x32x128xf32, #tpu.memory_space<hbm>>, %arg6: memref<786432xf32, #tpu.memory_space<hbm>>, %arg7: memref<8192xf32, #tpu.memory_space<vmem>>, %arg8: memref<8192xf32, #tpu.memory_space<vmem>>, %arg9: memref<8192xf32, #tpu.memory_space<vmem>>, %arg10: memref<8192xf32, #tpu.memory_space<vmem>>, %arg11: memref<8192xf32, #tpu.memory_space<vmem>>, %arg12: memref<8192xf32, #tpu.memory_space<vmem>>, %arg13: memref<8192xf32, #tpu.memory_space<vmem>>, %arg14: memref<256xf32, #tpu.memory_space<vmem>>, %arg15: memref<256xf32, #tpu.memory_space<vmem>>, %arg16: memref<256xf32, #tpu.memory_space<vmem>>, %arg17: memref<160xi32, #tpu.memory_space<vmem>>, %arg18: memref<3x32xi32, #tpu.memory_space<vmem>>, %arg19: memref<3x32x128xf32, #tpu.memory_space<vmem>>, %arg20: memref<8192xf32, #tpu.memory_space<vmem>>, %arg21: memref<8192xf32, #tpu.memory_space<vmem>>, %arg22: memref<8192xf32, #tpu.memory_space<vmem>>, %arg23: memref<!tpu.dma_semaphore, #tpu.memory_space<semaphore_mem>>, %arg24: memref<!tpu.dma_semaphore, #tpu.memory_space<semaphore_mem>>) attributes {dimension_semantics = [#tpu.dimension_semantics<core_parallel>, #tpu.dimension_semantics<subcore_parallel>], iteration_bounds = array<i64: 2, 16>, scalar_prefetch = 0 : i64, scratch_operands = 18 : i64, tpu.core_type = #tpu.core_type<sc_vector_subcore>, window_params = [{transform_indices = #map}, {transform_indices = #map}, {transform_indices = #map1}, {transform_indices = #map2}, {transform_indices = #map}]} {
    %mul3A = arith.constant 2 : i32
    %mul3A_0 = arith.muli %arg1, %mul3A : i32
    %add3A = arith.addi %mul3A_0, %arg0 : i32
    %jit3A = arith.constant 8 : i32
    %div3A = arith.divsi %add3A, %jit3A : i32
    %sign3A = arith.constant 0 : i32
    %sign3A_1 = arith.cmpi sgt, %add3A, %sign3A : i32
    %sign3A_2 = arith.extui %sign3A_1 : i1 to i32
    %sign3A_3 = arith.constant 0 : i32
    %sign3A_4 = arith.cmpi slt, %add3A, %sign3A_3 : i32
    %sign3A_5 = arith.extui %sign3A_4 : i1 to i32
    %sign3A_6 = arith.subi %sign3A_2, %sign3A_5 : i32
    %sign3A_7 = arith.constant 0 : i32
    %sign3A_8 = arith.cmpi sgt, %jit3A, %sign3A_7 : i32
    %sign3A_9 = arith.extui %sign3A_8 : i1 to i32
    %sign3A_10 = arith.constant 0 : i32
    %sign3A_11 = arith.cmpi slt, %jit3A, %sign3A_10 : i32
    %sign3A_12 = arith.extui %sign3A_11 : i1 to i32
    %sign3A_13 = arith.subi %sign3A_9, %sign3A_12 : i32
    %ne3A = arith.cmpi ne, %sign3A_6, %sign3A_13 : i32
    %rem3A = arith.remsi %add3A, %jit3A : i32
    %ne3A_14 = arith.constant 0 : i32
    %ne3A_15 = arith.cmpi ne, %rem3A, %ne3A_14 : i32
    %and3A = arith.andi %ne3A, %ne3A_15 : i1
    %sub3A = arith.constant 1 : i32
    %sub3A_16 = arith.subi %div3A, %sub3A : i32
    %select_n3A = arith.select %and3A, %sub3A_16, %div3A : i32
    %jit3A_17 = arith.constant 8 : i32
    %eq3A = arith.constant 0 : i32
    %eq3A_18 = arith.cmpi eq, %jit3A_17, %eq3A : i32
    %jit3A_19 = arith.constant 1 : i32
    %select_n3A_20 = arith.select %eq3A_18, %jit3A_19, %jit3A_17 : i32
    %rem3A_21 = arith.remsi %add3A, %select_n3A_20 : i32
    %ne3A_22 = arith.constant 0 : i32
    %ne3A_23 = arith.cmpi ne, %rem3A_21, %ne3A_22 : i32
    %lt3A = arith.constant 0 : i32
    %lt3A_24 = arith.cmpi slt, %rem3A_21, %lt3A : i32
    %lt3A_25 = arith.constant 0 : i32
    %lt3A_26 = arith.cmpi slt, %select_n3A_20, %lt3A_25 : i32
    %ne3A_27 = arith.xori %lt3A_24, %lt3A_26 : i1
    %and3A_28 = arith.andi %ne3A_27, %ne3A_23 : i1
    %add3A_29 = arith.addi %rem3A_21, %select_n3A_20 : i32
    %select_n3A_30 = arith.select %and3A_28, %add3A_29, %rem3A_21 : i32
    %mul3A_31 = arith.constant 256 : i32
    %mul3A_32 = arith.muli %select_n3A_30, %mul3A_31 : i32
    %mul3A_33 = arith.constant 3 : i32
    %mul3A_34 = arith.muli %select_n3A, %mul3A_33 : i32
    %add3A_35 = arith.constant 0 : i32
    %add3A_36 = arith.addi %mul3A_34, %add3A_35 : i32
    %mul3A_37 = arith.constant 8192 : i32
    %mul3A_38 = arith.muli %add3A_36, %mul3A_37 : i32
    "tpu.region"() ({
      %run_scoped3A = tpu.sem_alloc : memref<!tpu.dma_semaphore, #tpu.memory_space<semaphore_mem>>
      %dma_start3A_230 = tpu.memref_slice %arg2[%mul3A_38] : memref<98304xf32, #tpu.memory_space<hbm>> -> memref<8192xf32, #tpu.memory_space<hbm>>
      %dma_start3A_231 = tpu.memref_slice %arg2[%mul3A_38] : memref<98304xf32, #tpu.memory_space<hbm>> -> memref<8192xf32, #tpu.memory_space<hbm>>
      tpu.enqueue_dma source(%dma_start3A_231 : memref<8192xf32, #tpu.memory_space<hbm>>) target(%arg7 : memref<8192xf32, #tpu.memory_space<vmem>>) target_semaphore(%run_scoped3A : memref<!tpu.dma_semaphore, #tpu.memory_space<semaphore_mem>>)
      %dma_wait3A_232 = tpu.memref_slice %arg2[%mul3A_38] : memref<98304xf32, #tpu.memory_space<hbm>> -> memref<8192xf32, #tpu.memory_space<hbm>>
      %dma_wait3A_233 = tpu.memref_slice %arg2[%mul3A_38] : memref<98304xf32, #tpu.memory_space<hbm>> -> memref<8192xf32, #tpu.memory_space<hbm>>
      tpu.wait_dma2 semaphore(%run_scoped3A : memref<!tpu.dma_semaphore, #tpu.memory_space<semaphore_mem>>) src(%dma_wait3A_233 : memref<8192xf32, #tpu.memory_space<hbm>>) dst(%arg7 : memref<8192xf32, #tpu.memory_space<vmem>>)
      tpu.yield
    }) : () -> ()
    %mul3A_39 = arith.constant 3 : i32
    %mul3A_40 = arith.muli %select_n3A, %mul3A_39 : i32
    %add3A_41 = arith.constant 1 : i32
    %add3A_42 = arith.addi %mul3A_40, %add3A_41 : i32
    %mul3A_43 = arith.constant 8192 : i32
    %mul3A_44 = arith.muli %add3A_42, %mul3A_43 : i32
    "tpu.region"() ({
      %run_scoped3A = tpu.sem_alloc : memref<!tpu.dma_semaphore, #tpu.memory_space<semaphore_mem>>
      %dma_start3A_230 = tpu.memref_slice %arg2[%mul3A_44] : memref<98304xf32, #tpu.memory_space<hbm>> -> memref<8192xf32, #tpu.memory_space<hbm>>
      %dma_start3A_231 = tpu.memref_slice %arg2[%mul3A_44] : memref<98304xf32, #tpu.memory_space<hbm>> -> memref<8192xf32, #tpu.memory_space<hbm>>
      tpu.enqueue_dma source(%dma_start3A_231 : memref<8192xf32, #tpu.memory_space<hbm>>) target(%arg8 : memref<8192xf32, #tpu.memory_space<vmem>>) target_semaphore(%run_scoped3A : memref<!tpu.dma_semaphore, #tpu.memory_space<semaphore_mem>>)
      %dma_wait3A_232 = tpu.memref_slice %arg2[%mul3A_44] : memref<98304xf32, #tpu.memory_space<hbm>> -> memref<8192xf32, #tpu.memory_space<hbm>>
      %dma_wait3A_233 = tpu.memref_slice %arg2[%mul3A_44] : memref<98304xf32, #tpu.memory_space<hbm>> -> memref<8192xf32, #tpu.memory_space<hbm>>
      tpu.wait_dma2 semaphore(%run_scoped3A : memref<!tpu.dma_semaphore, #tpu.memory_space<semaphore_mem>>) src(%dma_wait3A_233 : memref<8192xf32, #tpu.memory_space<hbm>>) dst(%arg8 : memref<8192xf32, #tpu.memory_space<vmem>>)
      tpu.yield
    }) : () -> ()
    %mul3A_45 = arith.constant 3 : i32
    %mul3A_46 = arith.muli %select_n3A, %mul3A_45 : i32
    %add3A_47 = arith.constant 2 : i32
    %add3A_48 = arith.addi %mul3A_46, %add3A_47 : i32
    %mul3A_49 = arith.constant 8192 : i32
    %mul3A_50 = arith.muli %add3A_48, %mul3A_49 : i32
    "tpu.region"() ({
      %run_scoped3A = tpu.sem_alloc : memref<!tpu.dma_semaphore, #tpu.memory_space<semaphore_mem>>
      %dma_start3A_230 = tpu.memref_slice %arg2[%mul3A_50] : memref<98304xf32, #tpu.memory_space<hbm>> -> memref<8192xf32, #tpu.memory_space<hbm>>
      %dma_start3A_231 = tpu.memref_slice %arg2[%mul3A_50] : memref<98304xf32, #tpu.memory_space<hbm>> -> memref<8192xf32, #tpu.memory_space<hbm>>
      tpu.enqueue_dma source(%dma_start3A_231 : memref<8192xf32, #tpu.memory_space<hbm>>) target(%arg9 : memref<8192xf32, #tpu.memory_space<vmem>>) target_semaphore(%run_scoped3A : memref<!tpu.dma_semaphore, #tpu.memory_space<semaphore_mem>>)
      %dma_wait3A_232 = tpu.memref_slice %arg2[%mul3A_50] : memref<98304xf32, #tpu.memory_space<hbm>> -> memref<8192xf32, #tpu.memory_space<hbm>>
      %dma_wait3A_233 = tpu.memref_slice %arg2[%mul3A_50] : memref<98304xf32, #tpu.memory_space<hbm>> -> memref<8192xf32, #tpu.memory_space<hbm>>
      tpu.wait_dma2 semaphore(%run_scoped3A : memref<!tpu.dma_semaphore, #tpu.memory_space<semaphore_mem>>) src(%dma_wait3A_233 : memref<8192xf32, #tpu.memory_space<hbm>>) dst(%arg9 : memref<8192xf32, #tpu.memory_space<vmem>>)
      tpu.yield
    }) : () -> ()
    %mul3A_51 = arith.constant 3 : i32
    %mul3A_52 = arith.muli %select_n3A, %mul3A_51 : i32
    %add3A_53 = arith.constant 0 : i32
    %add3A_54 = arith.addi %mul3A_52, %add3A_53 : i32
    %mul3A_55 = arith.constant 2048 : i32
    %mul3A_56 = arith.muli %add3A_54, %mul3A_55 : i32
    %add3A_57 = arith.addi %mul3A_56, %mul3A_32 : i32
    "tpu.region"() ({
      %run_scoped3A = tpu.sem_alloc : memref<!tpu.dma_semaphore, #tpu.memory_space<semaphore_mem>>
      %dma_start3A_230 = tpu.memref_slice %arg3[%add3A_57] : memref<24576xf32, #tpu.memory_space<hbm>> -> memref<256xf32, #tpu.memory_space<hbm>>
      %dma_start3A_231 = tpu.memref_slice %arg3[%add3A_57] : memref<24576xf32, #tpu.memory_space<hbm>> -> memref<256xf32, #tpu.memory_space<hbm>>
      tpu.enqueue_dma source(%dma_start3A_231 : memref<256xf32, #tpu.memory_space<hbm>>) target(%arg14 : memref<256xf32, #tpu.memory_space<vmem>>) target_semaphore(%run_scoped3A : memref<!tpu.dma_semaphore, #tpu.memory_space<semaphore_mem>>)
      %dma_wait3A_232 = tpu.memref_slice %arg3[%add3A_57] : memref<24576xf32, #tpu.memory_space<hbm>> -> memref<256xf32, #tpu.memory_space<hbm>>
      %dma_wait3A_233 = tpu.memref_slice %arg3[%add3A_57] : memref<24576xf32, #tpu.memory_space<hbm>> -> memref<256xf32, #tpu.memory_space<hbm>>
      tpu.wait_dma2 semaphore(%run_scoped3A : memref<!tpu.dma_semaphore, #tpu.memory_space<semaphore_mem>>) src(%dma_wait3A_233 : memref<256xf32, #tpu.memory_space<hbm>>) dst(%arg14 : memref<256xf32, #tpu.memory_space<vmem>>)
      tpu.yield
    }) : () -> ()
    %mul3A_58 = arith.constant 3 : i32
    %mul3A_59 = arith.muli %select_n3A, %mul3A_58 : i32
    %add3A_60 = arith.constant 1 : i32
    %add3A_61 = arith.addi %mul3A_59, %add3A_60 : i32
    %mul3A_62 = arith.constant 2048 : i32
    %mul3A_63 = arith.muli %add3A_61, %mul3A_62 : i32
    %add3A_64 = arith.addi %mul3A_63, %mul3A_32 : i32
    "tpu.region"() ({
      %run_scoped3A = tpu.sem_alloc : memref<!tpu.dma_semaphore, #tpu.memory_space<semaphore_mem>>
      %dma_start3A_230 = tpu.memref_slice %arg3[%add3A_64] : memref<24576xf32, #tpu.memory_space<hbm>> -> memref<256xf32, #tpu.memory_space<hbm>>
      %dma_start3A_231 = tpu.memref_slice %arg3[%add3A_64] : memref<24576xf32, #tpu.memory_space<hbm>> -> memref<256xf32, #tpu.memory_space<hbm>>
      tpu.enqueue_dma source(%dma_start3A_231 : memref<256xf32, #tpu.memory_space<hbm>>) target(%arg15 : memref<256xf32, #tpu.memory_space<vmem>>) target_semaphore(%run_scoped3A : memref<!tpu.dma_semaphore, #tpu.memory_space<semaphore_mem>>)
      %dma_wait3A_232 = tpu.memref_slice %arg3[%add3A_64] : memref<24576xf32, #tpu.memory_space<hbm>> -> memref<256xf32, #tpu.memory_space<hbm>>
      %dma_wait3A_233 = tpu.memref_slice %arg3[%add3A_64] : memref<24576xf32, #tpu.memory_space<hbm>> -> memref<256xf32, #tpu.memory_space<hbm>>
      tpu.wait_dma2 semaphore(%run_scoped3A : memref<!tpu.dma_semaphore, #tpu.memory_space<semaphore_mem>>) src(%dma_wait3A_233 : memref<256xf32, #tpu.memory_space<hbm>>) dst(%arg15 : memref<256xf32, #tpu.memory_space<vmem>>)
      tpu.yield
    }) : () -> ()
    %mul3A_65 = arith.constant 3 : i32
    %mul3A_66 = arith.muli %select_n3A, %mul3A_65 : i32
    %add3A_67 = arith.constant 2 : i32
    %add3A_68 = arith.addi %mul3A_66, %add3A_67 : i32
    %mul3A_69 = arith.constant 2048 : i32
    %mul3A_70 = arith.muli %add3A_68, %mul3A_69 : i32
    %add3A_71 = arith.addi %mul3A_70, %mul3A_32 : i32
    "tpu.region"() ({
      %run_scoped3A = tpu.sem_alloc : memref<!tpu.dma_semaphore, #tpu.memory_space<semaphore_mem>>
      %dma_start3A_230 = tpu.memref_slice %arg3[%add3A_71] : memref<24576xf32, #tpu.memory_space<hbm>> -> memref<256xf32, #tpu.memory_space<hbm>>
      %dma_start3A_231 = tpu.memref_slice %arg3[%add3A_71] : memref<24576xf32, #tpu.memory_space<hbm>> -> memref<256xf32, #tpu.memory_space<hbm>>
      tpu.enqueue_dma source(%dma_start3A_231 : memref<256xf32, #tpu.memory_space<hbm>>) target(%arg16 : memref<256xf32, #tpu.memory_space<vmem>>) target_semaphore(%run_scoped3A : memref<!tpu.dma_semaphore, #tpu.memory_space<semaphore_mem>>)
      %dma_wait3A_232 = tpu.memref_slice %arg3[%add3A_71] : memref<24576xf32, #tpu.memory_space<hbm>> -> memref<256xf32, #tpu.memory_space<hbm>>
      %dma_wait3A_233 = tpu.memref_slice %arg3[%add3A_71] : memref<24576xf32, #tpu.memory_space<hbm>> -> memref<256xf32, #tpu.memory_space<hbm>>
      tpu.wait_dma2 semaphore(%run_scoped3A : memref<!tpu.dma_semaphore, #tpu.memory_space<semaphore_mem>>) src(%dma_wait3A_233 : memref<256xf32, #tpu.memory_space<hbm>>) dst(%arg16 : memref<256xf32, #tpu.memory_space<vmem>>)
      tpu.yield
    }) : () -> ()
    %iota3A = tpu.iota {dimensions = array<i32: 0>} : vector<16xi32>
    %scan3A = arith.constant 0 : i32
    %scan3A_72 = arith.constant 0 : i32
    %scan3A_73 = arith.constant 512 : i32
    %scan3A_74 = arith.addi %scan3A_72, %scan3A_73 : i32
    %scan3A_75 = arith.constant 1 : i32
    scf.for %scan3A_230 = %scan3A_72 to %scan3A_74 step %scan3A_75  : i32 {
      %mul3A_231 = arith.constant 16 : i32
      %mul3A_232 = arith.muli %scan3A_230, %mul3A_231 : i32
      %multiple_of3A = tpu.assume_multiple %mul3A_232, 16 : i32
      %get3A = arith.index_cast %multiple_of3A : i32 to index
      %get3A_233 = tpu.vector_load %arg7[%get3A] {strides = array<i32>} : memref<8192xf32, #tpu.memory_space<vmem>>, vector<16xf32>,
      %get3A_234 = arith.index_cast %multiple_of3A : i32 to index
      %get3A_235 = tpu.vector_load %arg8[%get3A_234] {strides = array<i32>} : memref<8192xf32, #tpu.memory_space<vmem>>, vector<16xf32>,
      %get3A_236 = arith.index_cast %multiple_of3A : i32 to index
      %get3A_237 = tpu.vector_load %arg9[%get3A_236] {strides = array<i32>} : memref<8192xf32, #tpu.memory_space<vmem>>, vector<16xf32>,
      %mul3A_238 = arith.mulf %get3A_233, %get3A_233 : vector<16xf32>
      %mul3A_239 = arith.mulf %get3A_235, %get3A_235 : vector<16xf32>
      %add3A_240 = arith.addf %mul3A_238, %mul3A_239 : vector<16xf32>
      %mul3A_241 = arith.mulf %get3A_237, %get3A_237 : vector<16xf32>
      %add3A_242 = arith.addf %add3A_240, %mul3A_241 : vector<16xf32>
      %swap3A = arith.index_cast %multiple_of3A : i32 to index
      %swap3A_243 = tpu.vector_load %arg10[%swap3A] {strides = array<i32>} : memref<8192xf32, #tpu.memory_space<vmem>>, vector<16xf32>,
      tpu.vector_store %arg10[%swap3A], %add3A_242 {strides = array<i32>} : memref<8192xf32, #tpu.memory_space<vmem>>, vector<16xf32>,
      %bitcast3A = vector.bitcast %get3A_233 : vector<16xf32> to vector<16xi32>
      %add3A_244 = arith.constant 32767 : i32
      %add3A_245 = vector.broadcast %add3A_244 : i32 to vector<16xi32>
      %add3A_246 = arith.addi %bitcast3A, %add3A_245 : vector<16xi32>
      %shift_right_logical3A = arith.constant 16 : i32
      %shift_right_logical3A_247 = vector.broadcast %shift_right_logical3A : i32 to vector<16xi32>
      %shift_right_logical3A_248 = arith.shrui %bitcast3A, %shift_right_logical3A_247 : vector<16xi32>
      %and3A_249 = arith.constant 1 : i32
      %and3A_250 = vector.broadcast %and3A_249 : i32 to vector<16xi32>
      %and3A_251 = arith.andi %shift_right_logical3A_248, %and3A_250 : vector<16xi32>
      %add3A_252 = arith.addi %add3A_246, %and3A_251 : vector<16xi32>
      %and3A_253 = arith.constant -65536 : i32
      %and3A_254 = vector.broadcast %and3A_253 : i32 to vector<16xi32>
      %and3A_255 = arith.andi %add3A_252, %and3A_254 : vector<16xi32>
      %bitcast3A_256 = vector.bitcast %and3A_255 : vector<16xi32> to vector<16xf32>
      %swap3A_257 = arith.index_cast %multiple_of3A : i32 to index
      %swap3A_258 = tpu.vector_load %arg11[%swap3A_257] {strides = array<i32>} : memref<8192xf32, #tpu.memory_space<vmem>>, vector<16xf32>,
      tpu.vector_store %arg11[%swap3A_257], %bitcast3A_256 {strides = array<i32>} : memref<8192xf32, #tpu.memory_space<vmem>>, vector<16xf32>,
      %bitcast3A_259 = vector.bitcast %get3A_235 : vector<16xf32> to vector<16xi32>
      %add3A_260 = arith.constant 32767 : i32
      %add3A_261 = vector.broadcast %add3A_260 : i32 to vector<16xi32>
      %add3A_262 = arith.addi %bitcast3A_259, %add3A_261 : vector<16xi32>
      %shift_right_logical3A_263 = arith.constant 16 : i32
      %shift_right_logical3A_264 = vector.broadcast %shift_right_logical3A_263 : i32 to vector<16xi32>
      %shift_right_logical3A_265 = arith.shrui %bitcast3A_259, %shift_right_logical3A_264 : vector<16xi32>
      %and3A_266 = arith.constant 1 : i32
      %and3A_267 = vector.broadcast %and3A_266 : i32 to vector<16xi32>
      %and3A_268 = arith.andi %shift_right_logical3A_265, %and3A_267 : vector<16xi32>
      %add3A_269 = arith.addi %add3A_262, %and3A_268 : vector<16xi32>
      %and3A_270 = arith.constant -65536 : i32
      %and3A_271 = vector.broadcast %and3A_270 : i32 to vector<16xi32>
      %and3A_272 = arith.andi %add3A_269, %and3A_271 : vector<16xi32>
      %bitcast3A_273 = vector.bitcast %and3A_272 : vector<16xi32> to vector<16xf32>
      %swap3A_274 = arith.index_cast %multiple_of3A : i32 to index
      %swap3A_275 = tpu.vector_load %arg12[%swap3A_274] {strides = array<i32>} : memref<8192xf32, #tpu.memory_space<vmem>>, vector<16xf32>,
      tpu.vector_store %arg12[%swap3A_274], %bitcast3A_273 {strides = array<i32>} : memref<8192xf32, #tpu.memory_space<vmem>>, vector<16xf32>,
      %bitcast3A_276 = vector.bitcast %get3A_237 : vector<16xf32> to vector<16xi32>
      %add3A_277 = arith.constant 32767 : i32
      %add3A_278 = vector.broadcast %add3A_277 : i32 to vector<16xi32>
      %add3A_279 = arith.addi %bitcast3A_276, %add3A_278 : vector<16xi32>
      %shift_right_logical3A_280 = arith.constant 16 : i32
      %shift_right_logical3A_281 = vector.broadcast %shift_right_logical3A_280 : i32 to vector<16xi32>
      %shift_right_logical3A_282 = arith.shrui %bitcast3A_276, %shift_right_logical3A_281 : vector<16xi32>
      %and3A_283 = arith.constant 1 : i32
      %and3A_284 = vector.broadcast %and3A_283 : i32 to vector<16xi32>
      %and3A_285 = arith.andi %shift_right_logical3A_282, %and3A_284 : vector<16xi32>
      %add3A_286 = arith.addi %add3A_279, %and3A_285 : vector<16xi32>
      %and3A_287 = arith.constant -65536 : i32
      %and3A_288 = vector.broadcast %and3A_287 : i32 to vector<16xi32>
      %and3A_289 = arith.andi %add3A_286, %and3A_288 : vector<16xi32>
      %bitcast3A_290 = vector.bitcast %and3A_289 : vector<16xi32> to vector<16xf32>
      %swap3A_291 = arith.index_cast %multiple_of3A : i32 to index
      %swap3A_292 = tpu.vector_load %arg13[%swap3A_291] {strides = array<i32>} : memref<8192xf32, #tpu.memory_space<vmem>>, vector<16xf32>,
      tpu.vector_store %arg13[%swap3A_291], %bitcast3A_290 {strides = array<i32>} : memref<8192xf32, #tpu.memory_space<vmem>>, vector<16xf32>,
    }
    %scan3A_76 = arith.constant 512 : i32
    %scan3A_77 = arith.constant 0 : i32
    %scan3A_78 = arith.constant 0 : i32
    %scan3A_79 = arith.constant 256 : i32
    %scan3A_80 = arith.addi %scan3A_78, %scan3A_79 : i32
    %scan3A_81 = arith.constant 1 : i32
    scf.for %scan3A_230 = %scan3A_78 to %scan3A_80 step %scan3A_81  : i32 {
      %broadcast_in_dim3A = arith.constant 0 : i32
      %broadcast_in_dim3A_231 = vector.broadcast %broadcast_in_dim3A : i32 to vector<16xi32>
      %add3A_232 = vector.broadcast %scan3A_230 : i32 to vector<16xi32>
      %add3A_233 = arith.addi %broadcast_in_dim3A_231, %add3A_232 : vector<16xi32>
      %gather3A = tpu.vector_load_idx %arg14[%add3A_233] : memref<256xf32, #tpu.memory_space<vmem>>[vector<16xi32>], vector<16xf32>,
      %gather3A_234 = tpu.vector_load_idx %arg15[%add3A_233] : memref<256xf32, #tpu.memory_space<vmem>>[vector<16xi32>], vector<16xf32>,
      %gather3A_235 = tpu.vector_load_idx %arg16[%add3A_233] : memref<256xf32, #tpu.memory_space<vmem>>[vector<16xi32>], vector<16xf32>,
      %mul3A_236 = arith.mulf %gather3A, %gather3A : vector<16xf32>
      %mul3A_237 = arith.mulf %gather3A_234, %gather3A_234 : vector<16xf32>
      %add3A_238 = arith.addf %mul3A_236, %mul3A_237 : vector<16xf32>
      %mul3A_239 = arith.mulf %gather3A_235, %gather3A_235 : vector<16xf32>
      %add3A_240 = arith.addf %add3A_238, %mul3A_239 : vector<16xf32>
      %bitcast3A = vector.bitcast %gather3A : vector<16xf32> to vector<16xi32>
      %add3A_241 = arith.constant 32767 : i32
      %add3A_242 = vector.broadcast %add3A_241 : i32 to vector<16xi32>
      %add3A_243 = arith.addi %bitcast3A, %add3A_242 : vector<16xi32>
      %shift_right_logical3A = arith.constant 16 : i32
      %shift_right_logical3A_244 = vector.broadcast %shift_right_logical3A : i32 to vector<16xi32>
      %shift_right_logical3A_245 = arith.shrui %bitcast3A, %shift_right_logical3A_244 : vector<16xi32>
      %and3A_246 = arith.constant 1 : i32
      %and3A_247 = vector.broadcast %and3A_246 : i32 to vector<16xi32>
      %and3A_248 = arith.andi %shift_right_logical3A_245, %and3A_247 : vector<16xi32>
      %add3A_249 = arith.addi %add3A_243, %and3A_248 : vector<16xi32>
      %and3A_250 = arith.constant -65536 : i32
      %and3A_251 = vector.broadcast %and3A_250 : i32 to vector<16xi32>
      %and3A_252 = arith.andi %add3A_249, %and3A_251 : vector<16xi32>
      %bitcast3A_253 = vector.bitcast %and3A_252 : vector<16xi32> to vector<16xf32>
      %bitcast3A_254 = vector.bitcast %gather3A_234 : vector<16xf32> to vector<16xi32>
      %add3A_255 = arith.constant 32767 : i32
      %add3A_256 = vector.broadcast %add3A_255 : i32 to vector<16xi32>
      %add3A_257 = arith.addi %bitcast3A_254, %add3A_256 : vector<16xi32>
      %shift_right_logical3A_258 = arith.constant 16 : i32
      %shift_right_logical3A_259 = vector.broadcast %shift_right_logical3A_258 : i32 to vector<16xi32>
      %shift_right_logical3A_260 = arith.shrui %bitcast3A_254, %shift_right_logical3A_259 : vector<16xi32>
      %and3A_261 = arith.constant 1 : i32
      %and3A_262 = vector.broadcast %and3A_261 : i32 to vector<16xi32>
      %and3A_263 = arith.andi %shift_right_logical3A_260, %and3A_262 : vector<16xi32>
      %add3A_264 = arith.addi %add3A_257, %and3A_263 : vector<16xi32>
      %and3A_265 = arith.constant -65536 : i32
      %and3A_266 = vector.broadcast %and3A_265 : i32 to vector<16xi32>
      %and3A_267 = arith.andi %add3A_264, %and3A_266 : vector<16xi32>
      %bitcast3A_268 = vector.bitcast %and3A_267 : vector<16xi32> to vector<16xf32>
      %bitcast3A_269 = vector.bitcast %gather3A_235 : vector<16xf32> to vector<16xi32>
      %add3A_270 = arith.constant 32767 : i32
      %add3A_271 = vector.broadcast %add3A_270 : i32 to vector<16xi32>
      %add3A_272 = arith.addi %bitcast3A_269, %add3A_271 : vector<16xi32>
      %shift_right_logical3A_273 = arith.constant 16 : i32
      %shift_right_logical3A_274 = vector.broadcast %shift_right_logical3A_273 : i32 to vector<16xi32>
      %shift_right_logical3A_275 = arith.shrui %bitcast3A_269, %shift_right_logical3A_274 : vector<16xi32>
      %and3A_276 = arith.constant 1 : i32
      %and3A_277 = vector.broadcast %and3A_276 : i32 to vector<16xi32>
      %and3A_278 = arith.andi %shift_right_logical3A_275, %and3A_277 : vector<16xi32>
      %add3A_279 = arith.addi %add3A_272, %and3A_278 : vector<16xi32>
      %and3A_280 = arith.constant -65536 : i32
      %and3A_281 = vector.broadcast %and3A_280 : i32 to vector<16xi32>
      %and3A_282 = arith.andi %add3A_279, %and3A_281 : vector<16xi32>
      %bitcast3A_283 = vector.bitcast %and3A_282 : vector<16xi32> to vector<16xf32>
      %broadcast_in_dim3A_284 = arith.constant 0 : i32
      %broadcast_in_dim3A_285 = vector.broadcast %broadcast_in_dim3A_284 : i32 to vector<16xi32>
      %while3A = arith.constant 0 : i32
      %while3A_286:2 = scf.while (%while3A_394 = %while3A, %while3A_395 = %broadcast_in_dim3A_285) : (i32, vector<16xi32>) -> (i32, vector<16xi32>) {
        %slice3A_396 = vector.extract_strided_slice %while3A_395 {offsets = [0], sizes = [1], strides = [1]} : vector<16xi32> to vector<1xi32>
        %squeeze3A_397 = vector.extract %slice3A_396[0] : i32 from vector<1xi32>
        %lt3A_398 = arith.constant 32 : i32
        %lt3A_399 = arith.cmpi slt, %squeeze3A_397, %lt3A_398 : i32
        %lt3A_400 = arith.constant 512 : i32
        %lt3A_401 = arith.cmpi slt, %while3A_394, %lt3A_400 : i32
        %and3A_402 = arith.andi %lt3A_399, %lt3A_401 : i1
        scf.condition(%and3A_402) %while3A_394, %while3A_395 : i32, vector<16xi32>
      } do {
      ^bb0(%while3A_394: i32, %while3A_395: vector<16xi32>):
        %add3A_396 = arith.constant 0 : i32
        %add3A_397 = arith.addi %while3A_394, %add3A_396 : i32
        %mul3A_398 = arith.constant 16 : i32
        %mul3A_399 = arith.muli %add3A_397, %mul3A_398 : i32
        %multiple_of3A = tpu.assume_multiple %mul3A_399, 16 : i32
        %get3A_400 = arith.index_cast %multiple_of3A : i32 to index
        %get3A_401 = tpu.vector_load %arg11[%get3A_400] {strides = array<i32>} : memref<8192xf32, #tpu.memory_space<vmem>>, vector<16xf32>,
        %get3A_402 = arith.index_cast %multiple_of3A : i32 to index
        %get3A_403 = tpu.vector_load %arg12[%get3A_402] {strides = array<i32>} : memref<8192xf32, #tpu.memory_space<vmem>>, vector<16xf32>,
        %get3A_404 = arith.index_cast %multiple_of3A : i32 to index
        %get3A_405 = tpu.vector_load %arg13[%get3A_404] {strides = array<i32>} : memref<8192xf32, #tpu.memory_space<vmem>>, vector<16xf32>,
        %get3A_406 = arith.index_cast %multiple_of3A : i32 to index
        %get3A_407 = tpu.vector_load %arg10[%get3A_406] {strides = array<i32>} : memref<8192xf32, #tpu.memory_space<vmem>>, vector<16xf32>,
        %mul3A_408 = arith.mulf %bitcast3A_253, %get3A_401 : vector<16xf32>
        %mul3A_409 = arith.mulf %bitcast3A_268, %get3A_403 : vector<16xf32>
        %add3A_410 = arith.addf %mul3A_408, %mul3A_409 : vector<16xf32>
        %mul3A_411 = arith.mulf %bitcast3A_283, %get3A_405 : vector<16xf32>
        %add3A_412 = arith.addf %add3A_410, %mul3A_411 : vector<16xf32>
        %add3A_413 = arith.addf %add3A_240, %get3A_407 : vector<16xf32>
        %mul3A_414 = arith.constant 2.000000e+00 : f32
        %mul3A_415 = vector.broadcast %mul3A_414 : f32 to vector<16xf32>
        %mul3A_416 = arith.mulf %mul3A_415, %add3A_412 : vector<16xf32>
        %sub3A_417 = arith.subf %add3A_413, %mul3A_416 : vector<16xf32>
        %lt3A_418 = arith.constant 4.000000e-02 : f32
        %lt3A_419 = vector.broadcast %lt3A_418 : f32 to vector<16xf32>
        %lt3A_420 = arith.cmpf olt, %sub3A_417, %lt3A_419 : vector<16xf32>
        %jit3A_421 = arith.constant 1 : i32
        %jit3A_422 = arith.constant 0 : i32
        %broadcast_in_dim3A_423 = vector.broadcast %jit3A_421 : i32 to vector<16xi32>
        %broadcast_in_dim3A_424 = vector.broadcast %jit3A_422 : i32 to vector<16xi32>
        %select_n3A_425 = arith.select %lt3A_420, %broadcast_in_dim3A_423, %broadcast_in_dim3A_424 : vector<16xi1>, vector<16xi32>
        %broadcast_in_dim3A_426 = arith.constant true
        %broadcast_in_dim3A_427 = vector.broadcast %broadcast_in_dim3A_426 : i1 to vector<16xi1>
        %masked_cumsum3A = tpu.scan <sum>, %select_n3A_425 masked %broadcast_in_dim3A_427 : vector<16xi32>, vector<16xi1> -> vector<16xi32>
        %add3A_428 = arith.constant 1 : i32
        %add3A_429 = arith.addi %while3A_394, %add3A_428 : i32
        %mul3A_430 = arith.constant 16 : i32
        %mul3A_431 = arith.muli %add3A_429, %mul3A_430 : i32
        %multiple_of3A_432 = tpu.assume_multiple %mul3A_431, 16 : i32
        %get3A_433 = arith.index_cast %multiple_of3A_432 : i32 to index
        %get3A_434 = tpu.vector_load %arg11[%get3A_433] {strides = array<i32>} : memref<8192xf32, #tpu.memory_space<vmem>>, vector<16xf32>,
        %get3A_435 = arith.index_cast %multiple_of3A_432 : i32 to index
        %get3A_436 = tpu.vector_load %arg12[%get3A_435] {strides = array<i32>} : memref<8192xf32, #tpu.memory_space<vmem>>, vector<16xf32>,
        %get3A_437 = arith.index_cast %multiple_of3A_432 : i32 to index
        %get3A_438 = tpu.vector_load %arg13[%get3A_437] {strides = array<i32>} : memref<8192xf32, #tpu.memory_space<vmem>>, vector<16xf32>,
        %get3A_439 = arith.index_cast %multiple_of3A_432 : i32 to index
        %get3A_440 = tpu.vector_load %arg10[%get3A_439] {strides = array<i32>} : memref<8192xf32, #tpu.memory_space<vmem>>, vector<16xf32>,
        %mul3A_441 = arith.mulf %bitcast3A_253, %get3A_434 : vector<16xf32>
        %mul3A_442 = arith.mulf %bitcast3A_268, %get3A_436 : vector<16xf32>
        %add3A_443 = arith.addf %mul3A_441, %mul3A_442 : vector<16xf32>
        %mul3A_444 = arith.mulf %bitcast3A_283, %get3A_438 : vector<16xf32>
        %add3A_445 = arith.addf %add3A_443, %mul3A_444 : vector<16xf32>
        %add3A_446 = arith.addf %add3A_240, %get3A_440 : vector<16xf32>
        %mul3A_447 = arith.constant 2.000000e+00 : f32
        %mul3A_448 = vector.broadcast %mul3A_447 : f32 to vector<16xf32>
        %mul3A_449 = arith.mulf %mul3A_448, %add3A_445 : vector<16xf32>
        %sub3A_450 = arith.subf %add3A_446, %mul3A_449 : vector<16xf32>
        %lt3A_451 = arith.constant 4.000000e-02 : f32
        %lt3A_452 = vector.broadcast %lt3A_451 : f32 to vector<16xf32>
        %lt3A_453 = arith.cmpf olt, %sub3A_450, %lt3A_452 : vector<16xf32>
        %jit3A_454 = arith.constant 1 : i32
        %jit3A_455 = arith.constant 0 : i32
        %broadcast_in_dim3A_456 = vector.broadcast %jit3A_454 : i32 to vector<16xi32>
        %broadcast_in_dim3A_457 = vector.broadcast %jit3A_455 : i32 to vector<16xi32>
        %select_n3A_458 = arith.select %lt3A_453, %broadcast_in_dim3A_456, %broadcast_in_dim3A_457 : vector<16xi1>, vector<16xi32>
        %broadcast_in_dim3A_459 = arith.constant true
        %broadcast_in_dim3A_460 = vector.broadcast %broadcast_in_dim3A_459 : i1 to vector<16xi1>
        %masked_cumsum3A_461 = tpu.scan <sum>, %select_n3A_458 masked %broadcast_in_dim3A_460 : vector<16xi32>, vector<16xi1> -> vector<16xi32>
        %add3A_462 = arith.constant 2 : i32
        %add3A_463 = arith.addi %while3A_394, %add3A_462 : i32
        %mul3A_464 = arith.constant 16 : i32
        %mul3A_465 = arith.muli %add3A_463, %mul3A_464 : i32
        %multiple_of3A_466 = tpu.assume_multiple %mul3A_465, 16 : i32
        %get3A_467 = arith.index_cast %multiple_of3A_466 : i32 to index
        %get3A_468 = tpu.vector_load %arg11[%get3A_467] {strides = array<i32>} : memref<8192xf32, #tpu.memory_space<vmem>>, vector<16xf32>,
        %get3A_469 = arith.index_cast %multiple_of3A_466 : i32 to index
        %get3A_470 = tpu.vector_load %arg12[%get3A_469] {strides = array<i32>} : memref<8192xf32, #tpu.memory_space<vmem>>, vector<16xf32>,
        %get3A_471 = arith.index_cast %multiple_of3A_466 : i32 to index
        %get3A_472 = tpu.vector_load %arg13[%get3A_471] {strides = array<i32>} : memref<8192xf32, #tpu.memory_space<vmem>>, vector<16xf32>,
        %get3A_473 = arith.index_cast %multiple_of3A_466 : i32 to index
        %get3A_474 = tpu.vector_load %arg10[%get3A_473] {strides = array<i32>} : memref<8192xf32, #tpu.memory_space<vmem>>, vector<16xf32>,
        %mul3A_475 = arith.mulf %bitcast3A_253, %get3A_468 : vector<16xf32>
        %mul3A_476 = arith.mulf %bitcast3A_268, %get3A_470 : vector<16xf32>
        %add3A_477 = arith.addf %mul3A_475, %mul3A_476 : vector<16xf32>
        %mul3A_478 = arith.mulf %bitcast3A_283, %get3A_472 : vector<16xf32>
        %add3A_479 = arith.addf %add3A_477, %mul3A_478 : vector<16xf32>
        %add3A_480 = arith.addf %add3A_240, %get3A_474 : vector<16xf32>
        %mul3A_481 = arith.constant 2.000000e+00 : f32
        %mul3A_482 = vector.broadcast %mul3A_481 : f32 to vector<16xf32>
        %mul3A_483 = arith.mulf %mul3A_482, %add3A_479 : vector<16xf32>
        %sub3A_484 = arith.subf %add3A_480, %mul3A_483 : vector<16xf32>
        %lt3A_485 = arith.constant 4.000000e-02 : f32
        %lt3A_486 = vector.broadcast %lt3A_485 : f32 to vector<16xf32>
        %lt3A_487 = arith.cmpf olt, %sub3A_484, %lt3A_486 : vector<16xf32>
        %jit3A_488 = arith.constant 1 : i32
        %jit3A_489 = arith.constant 0 : i32
        %broadcast_in_dim3A_490 = vector.broadcast %jit3A_488 : i32 to vector<16xi32>
        %broadcast_in_dim3A_491 = vector.broadcast %jit3A_489 : i32 to vector<16xi32>
        %select_n3A_492 = arith.select %lt3A_487, %broadcast_in_dim3A_490, %broadcast_in_dim3A_491 : vector<16xi1>, vector<16xi32>
        %broadcast_in_dim3A_493 = arith.constant true
        %broadcast_in_dim3A_494 = vector.broadcast %broadcast_in_dim3A_493 : i1 to vector<16xi1>
        %masked_cumsum3A_495 = tpu.scan <sum>, %select_n3A_492 masked %broadcast_in_dim3A_494 : vector<16xi32>, vector<16xi1> -> vector<16xi32>
        %add3A_496 = arith.constant 3 : i32
        %add3A_497 = arith.addi %while3A_394, %add3A_496 : i32
        %mul3A_498 = arith.constant 16 : i32
        %mul3A_499 = arith.muli %add3A_497, %mul3A_498 : i32
        %multiple_of3A_500 = tpu.assume_multiple %mul3A_499, 16 : i32
        %get3A_501 = arith.index_cast %multiple_of3A_500 : i32 to index
        %get3A_502 = tpu.vector_load %arg11[%get3A_501] {strides = array<i32>} : memref<8192xf32, #tpu.memory_space<vmem>>, vector<16xf32>,
        %get3A_503 = arith.index_cast %multiple_of3A_500 : i32 to index
        %get3A_504 = tpu.vector_load %arg12[%get3A_503] {strides = array<i32>} : memref<8192xf32, #tpu.memory_space<vmem>>, vector<16xf32>,
        %get3A_505 = arith.index_cast %multiple_of3A_500 : i32 to index
        %get3A_506 = tpu.vector_load %arg13[%get3A_505] {strides = array<i32>} : memref<8192xf32, #tpu.memory_space<vmem>>, vector<16xf32>,
        %get3A_507 = arith.index_cast %multiple_of3A_500 : i32 to index
        %get3A_508 = tpu.vector_load %arg10[%get3A_507] {strides = array<i32>} : memref<8192xf32, #tpu.memory_space<vmem>>, vector<16xf32>,
        %mul3A_509 = arith.mulf %bitcast3A_253, %get3A_502 : vector<16xf32>
        %mul3A_510 = arith.mulf %bitcast3A_268, %get3A_504 : vector<16xf32>
        %add3A_511 = arith.addf %mul3A_509, %mul3A_510 : vector<16xf32>
        %mul3A_512 = arith.mulf %bitcast3A_283, %get3A_506 : vector<16xf32>
        %add3A_513 = arith.addf %add3A_511, %mul3A_512 : vector<16xf32>
        %add3A_514 = arith.addf %add3A_240, %get3A_508 : vector<16xf32>
        %mul3A_515 = arith.constant 2.000000e+00 : f32
        %mul3A_516 = vector.broadcast %mul3A_515 : f32 to vector<16xf32>
        %mul3A_517 = arith.mulf %mul3A_516, %add3A_513 : vector<16xf32>
        %sub3A_518 = arith.subf %add3A_514, %mul3A_517 : vector<16xf32>
        %lt3A_519 = arith.constant 4.000000e-02 : f32
        %lt3A_520 = vector.broadcast %lt3A_519 : f32 to vector<16xf32>
        %lt3A_521 = arith.cmpf olt, %sub3A_518, %lt3A_520 : vector<16xf32>
        %jit3A_522 = arith.constant 1 : i32
        %jit3A_523 = arith.constant 0 : i32
        %broadcast_in_dim3A_524 = vector.broadcast %jit3A_522 : i32 to vector<16xi32>
        %broadcast_in_dim3A_525 = vector.broadcast %jit3A_523 : i32 to vector<16xi32>
        %select_n3A_526 = arith.select %lt3A_521, %broadcast_in_dim3A_524, %broadcast_in_dim3A_525 : vector<16xi1>, vector<16xi32>
        %broadcast_in_dim3A_527 = arith.constant true
        %broadcast_in_dim3A_528 = vector.broadcast %broadcast_in_dim3A_527 : i1 to vector<16xi1>
        %masked_cumsum3A_529 = tpu.scan <sum>, %select_n3A_526 masked %broadcast_in_dim3A_528 : vector<16xi32>, vector<16xi1> -> vector<16xi32>
        %add3A_530 = arith.constant 4 : i32
        %add3A_531 = arith.addi %while3A_394, %add3A_530 : i32
        %mul3A_532 = arith.constant 16 : i32
        %mul3A_533 = arith.muli %add3A_531, %mul3A_532 : i32
        %multiple_of3A_534 = tpu.assume_multiple %mul3A_533, 16 : i32
        %get3A_535 = arith.index_cast %multiple_of3A_534 : i32 to index
        %get3A_536 = tpu.vector_load %arg11[%get3A_535] {strides = array<i32>} : memref<8192xf32, #tpu.memory_space<vmem>>, vector<16xf32>,
        %get3A_537 = arith.index_cast %multiple_of3A_534 : i32 to index
        %get3A_538 = tpu.vector_load %arg12[%get3A_537] {strides = array<i32>} : memref<8192xf32, #tpu.memory_space<vmem>>, vector<16xf32>,
        %get3A_539 = arith.index_cast %multiple_of3A_534 : i32 to index
        %get3A_540 = tpu.vector_load %arg13[%get3A_539] {strides = array<i32>} : memref<8192xf32, #tpu.memory_space<vmem>>, vector<16xf32>,
        %get3A_541 = arith.index_cast %multiple_of3A_534 : i32 to index
        %get3A_542 = tpu.vector_load %arg10[%get3A_541] {strides = array<i32>} : memref<8192xf32, #tpu.memory_space<vmem>>, vector<16xf32>,
        %mul3A_543 = arith.mulf %bitcast3A_253, %get3A_536 : vector<16xf32>
        %mul3A_544 = arith.mulf %bitcast3A_268, %get3A_538 : vector<16xf32>
        %add3A_545 = arith.addf %mul3A_543, %mul3A_544 : vector<16xf32>
        %mul3A_546 = arith.mulf %bitcast3A_283, %get3A_540 : vector<16xf32>
        %add3A_547 = arith.addf %add3A_545, %mul3A_546 : vector<16xf32>
        %add3A_548 = arith.addf %add3A_240, %get3A_542 : vector<16xf32>
        %mul3A_549 = arith.constant 2.000000e+00 : f32
        %mul3A_550 = vector.broadcast %mul3A_549 : f32 to vector<16xf32>
        %mul3A_551 = arith.mulf %mul3A_550, %add3A_547 : vector<16xf32>
        %sub3A_552 = arith.subf %add3A_548, %mul3A_551 : vector<16xf32>
        %lt3A_553 = arith.constant 4.000000e-02 : f32
        %lt3A_554 = vector.broadcast %lt3A_553 : f32 to vector<16xf32>
        %lt3A_555 = arith.cmpf olt, %sub3A_552, %lt3A_554 : vector<16xf32>
        %jit3A_556 = arith.constant 1 : i32
        %jit3A_557 = arith.constant 0 : i32
        %broadcast_in_dim3A_558 = vector.broadcast %jit3A_556 : i32 to vector<16xi32>
        %broadcast_in_dim3A_559 = vector.broadcast %jit3A_557 : i32 to vector<16xi32>
        %select_n3A_560 = arith.select %lt3A_555, %broadcast_in_dim3A_558, %broadcast_in_dim3A_559 : vector<16xi1>, vector<16xi32>
        %broadcast_in_dim3A_561 = arith.constant true
        %broadcast_in_dim3A_562 = vector.broadcast %broadcast_in_dim3A_561 : i1 to vector<16xi1>
        %masked_cumsum3A_563 = tpu.scan <sum>, %select_n3A_560 masked %broadcast_in_dim3A_562 : vector<16xi32>, vector<16xi1> -> vector<16xi32>
        %add3A_564 = arith.constant 5 : i32
        %add3A_565 = arith.addi %while3A_394, %add3A_564 : i32
        %mul3A_566 = arith.constant 16 : i32
        %mul3A_567 = arith.muli %add3A_565, %mul3A_566 : i32
        %multiple_of3A_568 = tpu.assume_multiple %mul3A_567, 16 : i32
        %get3A_569 = arith.index_cast %multiple_of3A_568 : i32 to index
        %get3A_570 = tpu.vector_load %arg11[%get3A_569] {strides = array<i32>} : memref<8192xf32, #tpu.memory_space<vmem>>, vector<16xf32>,
        %get3A_571 = arith.index_cast %multiple_of3A_568 : i32 to index
        %get3A_572 = tpu.vector_load %arg12[%get3A_571] {strides = array<i32>} : memref<8192xf32, #tpu.memory_space<vmem>>, vector<16xf32>,
        %get3A_573 = arith.index_cast %multiple_of3A_568 : i32 to index
        %get3A_574 = tpu.vector_load %arg13[%get3A_573] {strides = array<i32>} : memref<8192xf32, #tpu.memory_space<vmem>>, vector<16xf32>,
        %get3A_575 = arith.index_cast %multiple_of3A_568 : i32 to index
        %get3A_576 = tpu.vector_load %arg10[%get3A_575] {strides = array<i32>} : memref<8192xf32, #tpu.memory_space<vmem>>, vector<16xf32>,
        %mul3A_577 = arith.mulf %bitcast3A_253, %get3A_570 : vector<16xf32>
        %mul3A_578 = arith.mulf %bitcast3A_268, %get3A_572 : vector<16xf32>
        %add3A_579 = arith.addf %mul3A_577, %mul3A_578 : vector<16xf32>
        %mul3A_580 = arith.mulf %bitcast3A_283, %get3A_574 : vector<16xf32>
        %add3A_581 = arith.addf %add3A_579, %mul3A_580 : vector<16xf32>
        %add3A_582 = arith.addf %add3A_240, %get3A_576 : vector<16xf32>
        %mul3A_583 = arith.constant 2.000000e+00 : f32
        %mul3A_584 = vector.broadcast %mul3A_583 : f32 to vector<16xf32>
        %mul3A_585 = arith.mulf %mul3A_584, %add3A_581 : vector<16xf32>
        %sub3A_586 = arith.subf %add3A_582, %mul3A_585 : vector<16xf32>
        %lt3A_587 = arith.constant 4.000000e-02 : f32
        %lt3A_588 = vector.broadcast %lt3A_587 : f32 to vector<16xf32>
        %lt3A_589 = arith.cmpf olt, %sub3A_586, %lt3A_588 : vector<16xf32>
        %jit3A_590 = arith.constant 1 : i32
        %jit3A_591 = arith.constant 0 : i32
        %broadcast_in_dim3A_592 = vector.broadcast %jit3A_590 : i32 to vector<16xi32>
        %broadcast_in_dim3A_593 = vector.broadcast %jit3A_591 : i32 to vector<16xi32>
        %select_n3A_594 = arith.select %lt3A_589, %broadcast_in_dim3A_592, %broadcast_in_dim3A_593 : vector<16xi1>, vector<16xi32>
        %broadcast_in_dim3A_595 = arith.constant true
        %broadcast_in_dim3A_596 = vector.broadcast %broadcast_in_dim3A_595 : i1 to vector<16xi1>
        %masked_cumsum3A_597 = tpu.scan <sum>, %select_n3A_594 masked %broadcast_in_dim3A_596 : vector<16xi32>, vector<16xi1> -> vector<16xi32>
        %add3A_598 = arith.constant 6 : i32
        %add3A_599 = arith.addi %while3A_394, %add3A_598 : i32
        %mul3A_600 = arith.constant 16 : i32
        %mul3A_601 = arith.muli %add3A_599, %mul3A_600 : i32
        %multiple_of3A_602 = tpu.assume_multiple %mul3A_601, 16 : i32
        %get3A_603 = arith.index_cast %multiple_of3A_602 : i32 to index
        %get3A_604 = tpu.vector_load %arg11[%get3A_603] {strides = array<i32>} : memref<8192xf32, #tpu.memory_space<vmem>>, vector<16xf32>,
        %get3A_605 = arith.index_cast %multiple_of3A_602 : i32 to index
        %get3A_606 = tpu.vector_load %arg12[%get3A_605] {strides = array<i32>} : memref<8192xf32, #tpu.memory_space<vmem>>, vector<16xf32>,
        %get3A_607 = arith.index_cast %multiple_of3A_602 : i32 to index
        %get3A_608 = tpu.vector_load %arg13[%get3A_607] {strides = array<i32>} : memref<8192xf32, #tpu.memory_space<vmem>>, vector<16xf32>,
        %get3A_609 = arith.index_cast %multiple_of3A_602 : i32 to index
        %get3A_610 = tpu.vector_load %arg10[%get3A_609] {strides = array<i32>} : memref<8192xf32, #tpu.memory_space<vmem>>, vector<16xf32>,
        %mul3A_611 = arith.mulf %bitcast3A_253, %get3A_604 : vector<16xf32>
        %mul3A_612 = arith.mulf %bitcast3A_268, %get3A_606 : vector<16xf32>
        %add3A_613 = arith.addf %mul3A_611, %mul3A_612 : vector<16xf32>
        %mul3A_614 = arith.mulf %bitcast3A_283, %get3A_608 : vector<16xf32>
        %add3A_615 = arith.addf %add3A_613, %mul3A_614 : vector<16xf32>
        %add3A_616 = arith.addf %add3A_240, %get3A_610 : vector<16xf32>
        %mul3A_617 = arith.constant 2.000000e+00 : f32
        %mul3A_618 = vector.broadcast %mul3A_617 : f32 to vector<16xf32>
        %mul3A_619 = arith.mulf %mul3A_618, %add3A_615 : vector<16xf32>
        %sub3A_620 = arith.subf %add3A_616, %mul3A_619 : vector<16xf32>
        %lt3A_621 = arith.constant 4.000000e-02 : f32
        %lt3A_622 = vector.broadcast %lt3A_621 : f32 to vector<16xf32>
        %lt3A_623 = arith.cmpf olt, %sub3A_620, %lt3A_622 : vector<16xf32>
        %jit3A_624 = arith.constant 1 : i32
        %jit3A_625 = arith.constant 0 : i32
        %broadcast_in_dim3A_626 = vector.broadcast %jit3A_624 : i32 to vector<16xi32>
        %broadcast_in_dim3A_627 = vector.broadcast %jit3A_625 : i32 to vector<16xi32>
        %select_n3A_628 = arith.select %lt3A_623, %broadcast_in_dim3A_626, %broadcast_in_dim3A_627 : vector<16xi1>, vector<16xi32>
        %broadcast_in_dim3A_629 = arith.constant true
        %broadcast_in_dim3A_630 = vector.broadcast %broadcast_in_dim3A_629 : i1 to vector<16xi1>
        %masked_cumsum3A_631 = tpu.scan <sum>, %select_n3A_628 masked %broadcast_in_dim3A_630 : vector<16xi32>, vector<16xi1> -> vector<16xi32>
        %add3A_632 = arith.constant 7 : i32
        %add3A_633 = arith.addi %while3A_394, %add3A_632 : i32
        %mul3A_634 = arith.constant 16 : i32
        %mul3A_635 = arith.muli %add3A_633, %mul3A_634 : i32
        %multiple_of3A_636 = tpu.assume_multiple %mul3A_635, 16 : i32
        %get3A_637 = arith.index_cast %multiple_of3A_636 : i32 to index
        %get3A_638 = tpu.vector_load %arg11[%get3A_637] {strides = array<i32>} : memref<8192xf32, #tpu.memory_space<vmem>>, vector<16xf32>,
        %get3A_639 = arith.index_cast %multiple_of3A_636 : i32 to index
        %get3A_640 = tpu.vector_load %arg12[%get3A_639] {strides = array<i32>} : memref<8192xf32, #tpu.memory_space<vmem>>, vector<16xf32>,
        %get3A_641 = arith.index_cast %multiple_of3A_636 : i32 to index
        %get3A_642 = tpu.vector_load %arg13[%get3A_641] {strides = array<i32>} : memref<8192xf32, #tpu.memory_space<vmem>>, vector<16xf32>,
        %get3A_643 = arith.index_cast %multiple_of3A_636 : i32 to index
        %get3A_644 = tpu.vector_load %arg10[%get3A_643] {strides = array<i32>} : memref<8192xf32, #tpu.memory_space<vmem>>, vector<16xf32>,
        %mul3A_645 = arith.mulf %bitcast3A_253, %get3A_638 : vector<16xf32>
        %mul3A_646 = arith.mulf %bitcast3A_268, %get3A_640 : vector<16xf32>
        %add3A_647 = arith.addf %mul3A_645, %mul3A_646 : vector<16xf32>
        %mul3A_648 = arith.mulf %bitcast3A_283, %get3A_642 : vector<16xf32>
        %add3A_649 = arith.addf %add3A_647, %mul3A_648 : vector<16xf32>
        %add3A_650 = arith.addf %add3A_240, %get3A_644 : vector<16xf32>
        %mul3A_651 = arith.constant 2.000000e+00 : f32
        %mul3A_652 = vector.broadcast %mul3A_651 : f32 to vector<16xf32>
        %mul3A_653 = arith.mulf %mul3A_652, %add3A_649 : vector<16xf32>
        %sub3A_654 = arith.subf %add3A_650, %mul3A_653 : vector<16xf32>
        %lt3A_655 = arith.constant 4.000000e-02 : f32
        %lt3A_656 = vector.broadcast %lt3A_655 : f32 to vector<16xf32>
        %lt3A_657 = arith.cmpf olt, %sub3A_654, %lt3A_656 : vector<16xf32>
        %jit3A_658 = arith.constant 1 : i32
        %jit3A_659 = arith.constant 0 : i32
        %broadcast_in_dim3A_660 = vector.broadcast %jit3A_658 : i32 to vector<16xi32>
        %broadcast_in_dim3A_661 = vector.broadcast %jit3A_659 : i32 to vector<16xi32>
        %select_n3A_662 = arith.select %lt3A_657, %broadcast_in_dim3A_660, %broadcast_in_dim3A_661 : vector<16xi1>, vector<16xi32>
        %broadcast_in_dim3A_663 = arith.constant true
        %broadcast_in_dim3A_664 = vector.broadcast %broadcast_in_dim3A_663 : i1 to vector<16xi1>
        %masked_cumsum3A_665 = tpu.scan <sum>, %select_n3A_662 masked %broadcast_in_dim3A_664 : vector<16xi32>, vector<16xi1> -> vector<16xi32>
        %sub3A_666 = arith.constant 1 : i32
        %sub3A_667 = vector.broadcast %sub3A_666 : i32 to vector<16xi32>
        %sub3A_668 = arith.subi %masked_cumsum3A, %sub3A_667 : vector<16xi32>
        %add3A_669 = arith.addi %while3A_395, %sub3A_668 : vector<16xi32>
        %add3A_670 = arith.constant 0 : i32
        %add3A_671 = arith.addi %while3A_394, %add3A_670 : i32
        %mul3A_672 = arith.constant 16 : i32
        %mul3A_673 = arith.muli %add3A_671, %mul3A_672 : i32
        %add3A_674 = vector.broadcast %mul3A_673 : i32 to vector<16xi32>
        %add3A_675 = arith.addi %iota3A, %add3A_674 : vector<16xi32>
        tpu.vector_store_idx %arg17[%add3A_669], %add3A_675 masked %lt3A_420 : memref<160xi32, #tpu.memory_space<vmem>>[vector<16xi32>], vector<16xi32>, vector<16xi1>
        %all_reduce_population_count3A = tpu.all_reduce %lt3A_420 {dim = 0 : i64, kind = #tpu.reduction_kind<sum>} : vector<16xi1> -> vector<16xi32>
        %add3A_676 = arith.addi %while3A_395, %all_reduce_population_count3A : vector<16xi32>
        %sub3A_677 = arith.constant 1 : i32
        %sub3A_678 = vector.broadcast %sub3A_677 : i32 to vector<16xi32>
        %sub3A_679 = arith.subi %masked_cumsum3A_461, %sub3A_678 : vector<16xi32>
        %add3A_680 = arith.addi %add3A_676, %sub3A_679 : vector<16xi32>
        %add3A_681 = arith.constant 1 : i32
        %add3A_682 = arith.addi %while3A_394, %add3A_681 : i32
        %mul3A_683 = arith.constant 16 : i32
        %mul3A_684 = arith.muli %add3A_682, %mul3A_683 : i32
        %add3A_685 = vector.broadcast %mul3A_684 : i32 to vector<16xi32>
        %add3A_686 = arith.addi %iota3A, %add3A_685 : vector<16xi32>
        tpu.vector_store_idx %arg17[%add3A_680], %add3A_686 masked %lt3A_453 : memref<160xi32, #tpu.memory_space<vmem>>[vector<16xi32>], vector<16xi32>, vector<16xi1>
        %all_reduce_population_count3A_687 = tpu.all_reduce %lt3A_453 {dim = 0 : i64, kind = #tpu.reduction_kind<sum>} : vector<16xi1> -> vector<16xi32>
        %add3A_688 = arith.addi %add3A_676, %all_reduce_population_count3A_687 : vector<16xi32>
        %sub3A_689 = arith.constant 1 : i32
        %sub3A_690 = vector.broadcast %sub3A_689 : i32 to vector<16xi32>
        %sub3A_691 = arith.subi %masked_cumsum3A_495, %sub3A_690 : vector<16xi32>
        %add3A_692 = arith.addi %add3A_688, %sub3A_691 : vector<16xi32>
        %add3A_693 = arith.constant 2 : i32
        %add3A_694 = arith.addi %while3A_394, %add3A_693 : i32
        %mul3A_695 = arith.constant 16 : i32
        %mul3A_696 = arith.muli %add3A_694, %mul3A_695 : i32
        %add3A_697 = vector.broadcast %mul3A_696 : i32 to vector<16xi32>
        %add3A_698 = arith.addi %iota3A, %add3A_697 : vector<16xi32>
        tpu.vector_store_idx %arg17[%add3A_692], %add3A_698 masked %lt3A_487 : memref<160xi32, #tpu.memory_space<vmem>>[vector<16xi32>], vector<16xi32>, vector<16xi1>
        %all_reduce_population_count3A_699 = tpu.all_reduce %lt3A_487 {dim = 0 : i64, kind = #tpu.reduction_kind<sum>} : vector<16xi1> -> vector<16xi32>
        %add3A_700 = arith.addi %add3A_688, %all_reduce_population_count3A_699 : vector<16xi32>
        %sub3A_701 = arith.constant 1 : i32
        %sub3A_702 = vector.broadcast %sub3A_701 : i32 to vector<16xi32>
        %sub3A_703 = arith.subi %masked_cumsum3A_529, %sub3A_702 : vector<16xi32>
        %add3A_704 = arith.addi %add3A_700, %sub3A_703 : vector<16xi32>
        %add3A_705 = arith.constant 3 : i32
        %add3A_706 = arith.addi %while3A_394, %add3A_705 : i32
        %mul3A_707 = arith.constant 16 : i32
        %mul3A_708 = arith.muli %add3A_706, %mul3A_707 : i32
        %add3A_709 = vector.broadcast %mul3A_708 : i32 to vector<16xi32>
        %add3A_710 = arith.addi %iota3A, %add3A_709 : vector<16xi32>
        tpu.vector_store_idx %arg17[%add3A_704], %add3A_710 masked %lt3A_521 : memref<160xi32, #tpu.memory_space<vmem>>[vector<16xi32>], vector<16xi32>, vector<16xi1>
        %all_reduce_population_count3A_711 = tpu.all_reduce %lt3A_521 {dim = 0 : i64, kind = #tpu.reduction_kind<sum>} : vector<16xi1> -> vector<16xi32>
        %add3A_712 = arith.addi %add3A_700, %all_reduce_population_count3A_711 : vector<16xi32>
        %sub3A_713 = arith.constant 1 : i32
        %sub3A_714 = vector.broadcast %sub3A_713 : i32 to vector<16xi32>
        %sub3A_715 = arith.subi %masked_cumsum3A_563, %sub3A_714 : vector<16xi32>
        %add3A_716 = arith.addi %add3A_712, %sub3A_715 : vector<16xi32>
        %add3A_717 = arith.constant 4 : i32
        %add3A_718 = arith.addi %while3A_394, %add3A_717 : i32
        %mul3A_719 = arith.constant 16 : i32
        %mul3A_720 = arith.muli %add3A_718, %mul3A_719 : i32
        %add3A_721 = vector.broadcast %mul3A_720 : i32 to vector<16xi32>
        %add3A_722 = arith.addi %iota3A, %add3A_721 : vector<16xi32>
        tpu.vector_store_idx %arg17[%add3A_716], %add3A_722 masked %lt3A_555 : memref<160xi32, #tpu.memory_space<vmem>>[vector<16xi32>], vector<16xi32>, vector<16xi1>
        %all_reduce_population_count3A_723 = tpu.all_reduce %lt3A_555 {dim = 0 : i64, kind = #tpu.reduction_kind<sum>} : vector<16xi1> -> vector<16xi32>
        %add3A_724 = arith.addi %add3A_712, %all_reduce_population_count3A_723 : vector<16xi32>
        %sub3A_725 = arith.constant 1 : i32
        %sub3A_726 = vector.broadcast %sub3A_725 : i32 to vector<16xi32>
        %sub3A_727 = arith.subi %masked_cumsum3A_597, %sub3A_726 : vector<16xi32>
        %add3A_728 = arith.addi %add3A_724, %sub3A_727 : vector<16xi32>
        %add3A_729 = arith.constant 5 : i32
        %add3A_730 = arith.addi %while3A_394, %add3A_729 : i32
        %mul3A_731 = arith.constant 16 : i32
        %mul3A_732 = arith.muli %add3A_730, %mul3A_731 : i32
        %add3A_733 = vector.broadcast %mul3A_732 : i32 to vector<16xi32>
        %add3A_734 = arith.addi %iota3A, %add3A_733 : vector<16xi32>
        tpu.vector_store_idx %arg17[%add3A_728], %add3A_734 masked %lt3A_589 : memref<160xi32, #tpu.memory_space<vmem>>[vector<16xi32>], vector<16xi32>, vector<16xi1>
        %all_reduce_population_count3A_735 = tpu.all_reduce %lt3A_589 {dim = 0 : i64, kind = #tpu.reduction_kind<sum>} : vector<16xi1> -> vector<16xi32>
        %add3A_736 = arith.addi %add3A_724, %all_reduce_population_count3A_735 : vector<16xi32>
        %sub3A_737 = arith.constant 1 : i32
        %sub3A_738 = vector.broadcast %sub3A_737 : i32 to vector<16xi32>
        %sub3A_739 = arith.subi %masked_cumsum3A_631, %sub3A_738 : vector<16xi32>
        %add3A_740 = arith.addi %add3A_736, %sub3A_739 : vector<16xi32>
        %add3A_741 = arith.constant 6 : i32
        %add3A_742 = arith.addi %while3A_394, %add3A_741 : i32
        %mul3A_743 = arith.constant 16 : i32
        %mul3A_744 = arith.muli %add3A_742, %mul3A_743 : i32
        %add3A_745 = vector.broadcast %mul3A_744 : i32 to vector<16xi32>
        %add3A_746 = arith.addi %iota3A, %add3A_745 : vector<16xi32>
        tpu.vector_store_idx %arg17[%add3A_740], %add3A_746 masked %lt3A_623 : memref<160xi32, #tpu.memory_space<vmem>>[vector<16xi32>], vector<16xi32>, vector<16xi1>
        %all_reduce_population_count3A_747 = tpu.all_reduce %lt3A_623 {dim = 0 : i64, kind = #tpu.reduction_kind<sum>} : vector<16xi1> -> vector<16xi32>
        %add3A_748 = arith.addi %add3A_736, %all_reduce_population_count3A_747 : vector<16xi32>
        %sub3A_749 = arith.constant 1 : i32
        %sub3A_750 = vector.broadcast %sub3A_749 : i32 to vector<16xi32>
        %sub3A_751 = arith.subi %masked_cumsum3A_665, %sub3A_750 : vector<16xi32>
        %add3A_752 = arith.addi %add3A_748, %sub3A_751 : vector<16xi32>
        %add3A_753 = arith.constant 7 : i32
        %add3A_754 = arith.addi %while3A_394, %add3A_753 : i32
        %mul3A_755 = arith.constant 16 : i32
        %mul3A_756 = arith.muli %add3A_754, %mul3A_755 : i32
        %add3A_757 = vector.broadcast %mul3A_756 : i32 to vector<16xi32>
        %add3A_758 = arith.addi %iota3A, %add3A_757 : vector<16xi32>
        tpu.vector_store_idx %arg17[%add3A_752], %add3A_758 masked %lt3A_657 : memref<160xi32, #tpu.memory_space<vmem>>[vector<16xi32>], vector<16xi32>, vector<16xi1>
        %all_reduce_population_count3A_759 = tpu.all_reduce %lt3A_657 {dim = 0 : i64, kind = #tpu.reduction_kind<sum>} : vector<16xi1> -> vector<16xi32>
        %add3A_760 = arith.addi %add3A_748, %all_reduce_population_count3A_759 : vector<16xi32>
        %add3A_761 = arith.constant 8 : i32
        %add3A_762 = arith.addi %while3A_394, %add3A_761 : i32
        scf.yield %add3A_762, %add3A_760 : i32, vector<16xi32>
      }
      %slice3A = vector.extract_strided_slice %while3A_286#1 {offsets = [0], sizes = [1], strides = [1]} : vector<16xi32> to vector<1xi32>
      %squeeze3A = vector.extract %slice3A[0] : i32 from vector<1xi32>
      %min3A = arith.constant 32 : i32
      %min3A_287 = arith.minsi %squeeze3A, %min3A : i32
      %lt3A_288 = vector.broadcast %min3A_287 : i32 to vector<16xi32>
      %lt3A_289 = arith.cmpi slt, %iota3A, %lt3A_288 : vector<16xi32>
      %get3A = arith.constant 0 : index
      %get3A_290 = tpu.vector_load %arg17[%get3A] {strides = array<i32>} : memref<160xi32, #tpu.memory_space<vmem>>, vector<16xi32>,
      %jit3A_291 = arith.constant 0 : i32
      %broadcast_in_dim3A_292 = vector.broadcast %jit3A_291 : i32 to vector<16xi32>
      %select_n3A_293 = arith.select %lt3A_289, %get3A_290, %broadcast_in_dim3A_292 : vector<16xi1>, vector<16xi32>
      %add3A_294 = arith.constant 16 : i32
      %add3A_295 = vector.broadcast %add3A_294 : i32 to vector<16xi32>
      %add3A_296 = arith.addi %iota3A, %add3A_295 : vector<16xi32>
      %lt3A_297 = vector.broadcast %min3A_287 : i32 to vector<16xi32>
      %lt3A_298 = arith.cmpi slt, %add3A_296, %lt3A_297 : vector<16xi32>
      %get3A_299 = arith.constant 16 : index
      %get3A_300 = tpu.vector_load %arg17[%get3A_299] {strides = array<i32>} : memref<160xi32, #tpu.memory_space<vmem>>, vector<16xi32>,
      %jit3A_301 = arith.constant 0 : i32
      %broadcast_in_dim3A_302 = vector.broadcast %jit3A_301 : i32 to vector<16xi32>
      %select_n3A_303 = arith.select %lt3A_298, %get3A_300, %broadcast_in_dim3A_302 : vector<16xi1>, vector<16xi32>
      %gather3A_304 = tpu.vector_load_idx %arg7[%select_n3A_293] : memref<8192xf32, #tpu.memory_space<vmem>>[vector<16xi32>], vector<16xf32>,
      %gather3A_305 = tpu.vector_load_idx %arg7[%select_n3A_303] : memref<8192xf32, #tpu.memory_space<vmem>>[vector<16xi32>], vector<16xf32>,
      %gather3A_306 = tpu.vector_load_idx %arg8[%select_n3A_293] : memref<8192xf32, #tpu.memory_space<vmem>>[vector<16xi32>], vector<16xf32>,
      %gather3A_307 = tpu.vector_load_idx %arg8[%select_n3A_303] : memref<8192xf32, #tpu.memory_space<vmem>>[vector<16xi32>], vector<16xf32>,
      %gather3A_308 = tpu.vector_load_idx %arg9[%select_n3A_293] : memref<8192xf32, #tpu.memory_space<vmem>>[vector<16xi32>], vector<16xf32>,
      %gather3A_309 = tpu.vector_load_idx %arg9[%select_n3A_303] : memref<8192xf32, #tpu.memory_space<vmem>>[vector<16xi32>], vector<16xf32>,
      %mul3A_310 = arith.constant 32 : i32
      %mul3A_311 = arith.muli %scan3A_230, %mul3A_310 : i32
      %sub3A_312 = arith.subf %gather3A_304, %gather3A : vector<16xf32>
      %mul3A_313 = arith.constant 5.000000e+00 : f32
      %mul3A_314 = vector.broadcast %mul3A_313 : f32 to vector<16xf32>
      %mul3A_315 = arith.mulf %sub3A_312, %mul3A_314 : vector<16xf32>
      %swap3A = arith.index_cast %mul3A_311 : i32 to index
      %swap3A_316 = tpu.vector_load %arg20[%swap3A] {strides = array<i32>} : memref<8192xf32, #tpu.memory_space<vmem>>, vector<16xf32>,
      tpu.vector_store %arg20[%swap3A], %mul3A_315 {strides = array<i32>} : memref<8192xf32, #tpu.memory_space<vmem>>, vector<16xf32>,
      %sub3A_317 = arith.subf %gather3A_305, %gather3A : vector<16xf32>
      %mul3A_318 = arith.constant 5.000000e+00 : f32
      %mul3A_319 = vector.broadcast %mul3A_318 : f32 to vector<16xf32>
      %mul3A_320 = arith.mulf %sub3A_317, %mul3A_319 : vector<16xf32>
      %add3A_321 = arith.constant 16 : i32
      %add3A_322 = arith.addi %mul3A_311, %add3A_321 : i32
      %swap3A_323 = arith.index_cast %add3A_322 : i32 to index
      %swap3A_324 = tpu.vector_load %arg20[%swap3A_323] {strides = array<i32>} : memref<8192xf32, #tpu.memory_space<vmem>>, vector<16xf32>,
      tpu.vector_store %arg20[%swap3A_323], %mul3A_320 {strides = array<i32>} : memref<8192xf32, #tpu.memory_space<vmem>>, vector<16xf32>,
      %sub3A_325 = arith.subf %gather3A_306, %gather3A_234 : vector<16xf32>
      %mul3A_326 = arith.constant 5.000000e+00 : f32
      %mul3A_327 = vector.broadcast %mul3A_326 : f32 to vector<16xf32>
      %mul3A_328 = arith.mulf %sub3A_325, %mul3A_327 : vector<16xf32>
      %swap3A_329 = arith.index_cast %mul3A_311 : i32 to index
      %swap3A_330 = tpu.vector_load %arg21[%swap3A_329] {strides = array<i32>} : memref<8192xf32, #tpu.memory_space<vmem>>, vector<16xf32>,
      tpu.vector_store %arg21[%swap3A_329], %mul3A_328 {strides = array<i32>} : memref<8192xf32, #tpu.memory_space<vmem>>, vector<16xf32>,
      %sub3A_331 = arith.subf %gather3A_307, %gather3A_234 : vector<16xf32>
      %mul3A_332 = arith.constant 5.000000e+00 : f32
      %mul3A_333 = vector.broadcast %mul3A_332 : f32 to vector<16xf32>
      %mul3A_334 = arith.mulf %sub3A_331, %mul3A_333 : vector<16xf32>
      %add3A_335 = arith.constant 16 : i32
      %add3A_336 = arith.addi %mul3A_311, %add3A_335 : i32
      %swap3A_337 = arith.index_cast %add3A_336 : i32 to index
      %swap3A_338 = tpu.vector_load %arg21[%swap3A_337] {strides = array<i32>} : memref<8192xf32, #tpu.memory_space<vmem>>, vector<16xf32>,
      tpu.vector_store %arg21[%swap3A_337], %mul3A_334 {strides = array<i32>} : memref<8192xf32, #tpu.memory_space<vmem>>, vector<16xf32>,
      %sub3A_339 = arith.subf %gather3A_308, %gather3A_235 : vector<16xf32>
      %mul3A_340 = arith.constant 5.000000e+00 : f32
      %mul3A_341 = vector.broadcast %mul3A_340 : f32 to vector<16xf32>
      %mul3A_342 = arith.mulf %sub3A_339, %mul3A_341 : vector<16xf32>
      %swap3A_343 = arith.index_cast %mul3A_311 : i32 to index
      %swap3A_344 = tpu.vector_load %arg22[%swap3A_343] {strides = array<i32>} : memref<8192xf32, #tpu.memory_space<vmem>>, vector<16xf32>,
      tpu.vector_store %arg22[%swap3A_343], %mul3A_342 {strides = array<i32>} : memref<8192xf32, #tpu.memory_space<vmem>>, vector<16xf32>,
      %sub3A_345 = arith.subf %gather3A_309, %gather3A_235 : vector<16xf32>
      %mul3A_346 = arith.constant 5.000000e+00 : f32
      %mul3A_347 = vector.broadcast %mul3A_346 : f32 to vector<16xf32>
      %mul3A_348 = arith.mulf %sub3A_345, %mul3A_347 : vector<16xf32>
      %add3A_349 = arith.constant 16 : i32
      %add3A_350 = arith.addi %mul3A_311, %add3A_349 : i32
      %swap3A_351 = arith.index_cast %add3A_350 : i32 to index
      %swap3A_352 = tpu.vector_load %arg22[%swap3A_351] {strides = array<i32>} : memref<8192xf32, #tpu.memory_space<vmem>>, vector<16xf32>,
      tpu.vector_store %arg22[%swap3A_351], %mul3A_348 {strides = array<i32>} : memref<8192xf32, #tpu.memory_space<vmem>>, vector<16xf32>,
      %rem3A_353 = arith.constant 3 : i32
      %rem3A_354 = arith.remsi %scan3A_230, %rem3A_353 : i32
      %add3A_355 = arith.constant 1 : i32
      %add3A_356 = arith.addi %scan3A_230, %add3A_355 : i32
      %rem3A_357 = arith.constant 3 : i32
      %rem3A_358 = arith.remsi %add3A_356, %rem3A_357 : i32
      %mul3A_359 = arith.constant 8192 : i32
      %mul3A_360 = arith.muli %select_n3A, %mul3A_359 : i32
      %add3A_361 = vector.broadcast %mul3A_360 : i32 to vector<16xi32>
      %add3A_362 = arith.addi %select_n3A_293, %add3A_361 : vector<16xi32>
      %swap3A_363 = arith.index_cast %rem3A_354 : i32 to index
      %swap3A_364 = arith.constant 0 : index
      %swap3A_365 = tpu.vector_load %arg18[%swap3A_363, %swap3A_364] {strides = array<i32>} : memref<3x32xi32, #tpu.memory_space<vmem>>, vector<16xi32>,
      tpu.vector_store %arg18[%swap3A_363, %swap3A_364], %add3A_362 {strides = array<i32>} : memref<3x32xi32, #tpu.memory_space<vmem>>, vector<16xi32>,
      %mul3A_366 = arith.constant 8192 : i32
      %mul3A_367 = arith.muli %select_n3A, %mul3A_366 : i32
      %add3A_368 = vector.broadcast %mul3A_367 : i32 to vector<16xi32>
      %add3A_369 = arith.addi %select_n3A_303, %add3A_368 : vector<16xi32>
      %swap3A_370 = arith.index_cast %rem3A_354 : i32 to index
      %swap3A_371 = arith.constant 16 : index
      %swap3A_372 = tpu.vector_load %arg18[%swap3A_370, %swap3A_371] {strides = array<i32>} : memref<3x32xi32, #tpu.memory_space<vmem>>, vector<16xi32>,
      tpu.vector_store %arg18[%swap3A_370, %swap3A_371], %add3A_369 {strides = array<i32>} : memref<3x32xi32, #tpu.memory_space<vmem>>, vector<16xi32>,
      %mul3A_373 = arith.constant 2048 : i32
      %mul3A_374 = arith.muli %select_n3A, %mul3A_373 : i32
      %add3A_375 = arith.addi %mul3A_374, %mul3A_32 : i32
      %add3A_376 = arith.addi %add3A_375, %scan3A_230 : i32
      %ge3A = arith.constant 3 : i32
      %ge3A_377 = arith.cmpi sge, %scan3A_230, %ge3A : i32
      %convert_element_type3A = arith.extui %ge3A_377 : i1 to i32
      %cond3A = arith.constant 0 : i32
      %cond3A_378 = arith.cmpi ne, %convert_element_type3A, %cond3A : i32
      scf.if %cond3A_378 {
        %sub3A_394 = arith.constant 3 : i32
        %sub3A_395 = arith.subi %add3A_376, %sub3A_394 : i32
        %dma_wait3A_396 = arith.constant 0 : i32
        %dma_wait3A_397 = arith.constant 0 : i32
        %dma_wait3A_398 = tpu.memref_slice %arg19[%rem3A_354, %dma_wait3A_396, %dma_wait3A_397] : memref<3x32x128xf32, #tpu.memory_space<vmem>> -> memref<1x32x128xf32, #tpu.memory_space<vmem>>
        %dma_wait3A_399 = tpu.memref_squeeze %dma_wait3A_398 : memref<1x32x128xf32, #tpu.memory_space<vmem>> -> memref<32x128xf32, #tpu.memory_space<vmem>>
        %dma_wait3A_400 = arith.constant 0 : i32
        %dma_wait3A_401 = arith.constant 0 : i32
        %dma_wait3A_402 = tpu.memref_slice %arg5[%sub3A_395, %dma_wait3A_400, %dma_wait3A_401] : memref<8192x32x128xf32, #tpu.memory_space<hbm>> -> memref<1x32x128xf32, #tpu.memory_space<hbm>>
        %dma_wait3A_403 = tpu.memref_squeeze %dma_wait3A_402 : memref<1x32x128xf32, #tpu.memory_space<hbm>> -> memref<32x128xf32, #tpu.memory_space<hbm>>
        %dma_wait3A_404 = arith.constant 0 : i32
        %dma_wait3A_405 = arith.constant 0 : i32
        %dma_wait3A_406 = tpu.memref_slice %arg5[%sub3A_395, %dma_wait3A_404, %dma_wait3A_405] : memref<8192x32x128xf32, #tpu.memory_space<hbm>> -> memref<1x32x128xf32, #tpu.memory_space<hbm>>
        %dma_wait3A_407 = tpu.memref_squeeze %dma_wait3A_406 : memref<1x32x128xf32, #tpu.memory_space<hbm>> -> memref<32x128xf32, #tpu.memory_space<hbm>>
        %dma_wait3A_408 = arith.constant 0 : i32
        %dma_wait3A_409 = arith.constant 0 : i32
        %dma_wait3A_410 = tpu.memref_slice %arg19[%rem3A_354, %dma_wait3A_408, %dma_wait3A_409] : memref<3x32x128xf32, #tpu.memory_space<vmem>> -> memref<1x32x128xf32, #tpu.memory_space<vmem>>
        %dma_wait3A_411 = tpu.memref_squeeze %dma_wait3A_410 : memref<1x32x128xf32, #tpu.memory_space<vmem>> -> memref<32x128xf32, #tpu.memory_space<vmem>>
        tpu.wait_dma2 semaphore(%arg24 : memref<!tpu.dma_semaphore, #tpu.memory_space<semaphore_mem>>) src(%dma_wait3A_411 : memref<32x128xf32, #tpu.memory_space<vmem>>) dst(%dma_wait3A_407 : memref<32x128xf32, #tpu.memory_space<hbm>>)
      } else {
      }
      %dma_start3A_379 = arith.constant 0 : i32
      %dma_start3A_380 = arith.constant 0 : i32
      %dma_start3A_381 = tpu.memref_slice %arg19[%rem3A_354, %dma_start3A_379, %dma_start3A_380] : memref<3x32x128xf32, #tpu.memory_space<vmem>> -> memref<1x32x128xf32, #tpu.memory_space<vmem>>
      %dma_start3A_382 = tpu.memref_squeeze %dma_start3A_381 : memref<1x32x128xf32, #tpu.memory_space<vmem>> -> memref<32x128xf32, #tpu.memory_space<vmem>>
      %dma_start3A_383 = arith.constant 0 : i32
      %dma_start3A_384 = tpu.memref_slice %arg18[%rem3A_354, %dma_start3A_383] : memref<3x32xi32, #tpu.memory_space<vmem>> -> memref<1x32xi32, #tpu.memory_space<vmem>>
      %dma_start3A_385 = tpu.memref_squeeze %dma_start3A_384 : memref<1x32xi32, #tpu.memory_space<vmem>> -> memref<32xi32, #tpu.memory_space<vmem>>
      %dma_start3A_386 = arith.constant 0 : i32
      %dma_start3A_387 = arith.constant 0 : i32
      %dma_start3A_388 = tpu.memref_slice %arg4[%dma_start3A_386, %dma_start3A_387] : memref<32768x128xf32, #tpu.memory_space<hbm>> -> memref<32768x128xf32, #tpu.memory_space<hbm>>
      tpu.enqueue_indirect_dma source(%dma_start3A_388 : memref<32768x128xf32, #tpu.memory_space<hbm>>) target(%dma_start3A_382 : memref<32x128xf32, #tpu.memory_space<vmem>>) offsets(%dma_start3A_385 : memref<32xi32, #tpu.memory_space<vmem>>) semaphore(%arg23 : memref<!tpu.dma_semaphore, #tpu.memory_space<semaphore_mem>>)
      %ge3A_389 = arith.constant 2 : i32
      %ge3A_390 = arith.cmpi sge, %scan3A_230, %ge3A_389 : i32
      %convert_element_type3A_391 = arith.extui %ge3A_390 : i1 to i32
      %cond3A_392 = arith.constant 0 : i32
      %cond3A_393 = arith.cmpi ne, %convert_element_type3A_391, %cond3A_392 : i32
      scf.if %cond3A_393 {
        %dma_wait3A_394 = arith.constant 0 : i32
        %dma_wait3A_395 = arith.constant 0 : i32
        %dma_wait3A_396 = tpu.memref_slice %arg19[%rem3A_358, %dma_wait3A_394, %dma_wait3A_395] : memref<3x32x128xf32, #tpu.memory_space<vmem>> -> memref<1x32x128xf32, #tpu.memory_space<vmem>>
        %dma_wait3A_397 = tpu.memref_squeeze %dma_wait3A_396 : memref<1x32x128xf32, #tpu.memory_space<vmem>> -> memref<32x128xf32, #tpu.memory_space<vmem>>
        %dma_wait3A_398 = arith.constant 0 : i32
        %dma_wait3A_399 = tpu.memref_slice %arg18[%rem3A_358, %dma_wait3A_398] : memref<3x32xi32, #tpu.memory_space<vmem>> -> memref<1x32xi32, #tpu.memory_space<vmem>>
        %dma_wait3A_400 = tpu.memref_squeeze %dma_wait3A_399 : memref<1x32xi32, #tpu.memory_space<vmem>> -> memref<32xi32, #tpu.memory_space<vmem>>
        %dma_wait3A_401 = arith.constant 0 : i32
        %dma_wait3A_402 = arith.constant 0 : i32
        %dma_wait3A_403 = tpu.memref_slice %arg4[%dma_wait3A_401, %dma_wait3A_402] : memref<32768x128xf32, #tpu.memory_space<hbm>> -> memref<32768x128xf32, #tpu.memory_space<hbm>>
        tpu.wait_indirect_dma semaphore(%arg23 : memref<!tpu.dma_semaphore, #tpu.memory_space<semaphore_mem>>) src(%dma_wait3A_403 : memref<32768x128xf32, #tpu.memory_space<hbm>>) dst(%dma_wait3A_397 : memref<32x128xf32, #tpu.memory_space<vmem>>)
        %sub3A_404 = arith.constant 2 : i32
        %sub3A_405 = arith.subi %add3A_376, %sub3A_404 : i32
        %dma_start3A_406 = arith.constant 0 : i32
        %dma_start3A_407 = arith.constant 0 : i32
        %dma_start3A_408 = tpu.memref_slice %arg19[%rem3A_358, %dma_start3A_406, %dma_start3A_407] : memref<3x32x128xf32, #tpu.memory_space<vmem>> -> memref<1x32x128xf32, #tpu.memory_space<vmem>>
        %dma_start3A_409 = tpu.memref_squeeze %dma_start3A_408 : memref<1x32x128xf32, #tpu.memory_space<vmem>> -> memref<32x128xf32, #tpu.memory_space<vmem>>
        %dma_start3A_410 = arith.constant 0 : i32
        %dma_start3A_411 = arith.constant 0 : i32
        %dma_start3A_412 = tpu.memref_slice %arg5[%sub3A_405, %dma_start3A_410, %dma_start3A_411] : memref<8192x32x128xf32, #tpu.memory_space<hbm>> -> memref<1x32x128xf32, #tpu.memory_space<hbm>>
        %dma_start3A_413 = tpu.memref_squeeze %dma_start3A_412 : memref<1x32x128xf32, #tpu.memory_space<hbm>> -> memref<32x128xf32, #tpu.memory_space<hbm>>
        %dma_start3A_414 = arith.constant 0 : i32
        %dma_start3A_415 = arith.constant 0 : i32
        %dma_start3A_416 = tpu.memref_slice %arg5[%sub3A_405, %dma_start3A_414, %dma_start3A_415] : memref<8192x32x128xf32, #tpu.memory_space<hbm>> -> memref<1x32x128xf32, #tpu.memory_space<hbm>>
        %dma_start3A_417 = tpu.memref_squeeze %dma_start3A_416 : memref<1x32x128xf32, #tpu.memory_space<hbm>> -> memref<32x128xf32, #tpu.memory_space<hbm>>
        %dma_start3A_418 = arith.constant 0 : i32
        %dma_start3A_419 = arith.constant 0 : i32
        %dma_start3A_420 = tpu.memref_slice %arg19[%rem3A_358, %dma_start3A_418, %dma_start3A_419] : memref<3x32x128xf32, #tpu.memory_space<vmem>> -> memref<1x32x128xf32, #tpu.memory_space<vmem>>
        %dma_start3A_421 = tpu.memref_squeeze %dma_start3A_420 : memref<1x32x128xf32, #tpu.memory_space<vmem>> -> memref<32x128xf32, #tpu.memory_space<vmem>>
        tpu.enqueue_dma source(%dma_start3A_421 : memref<32x128xf32, #tpu.memory_space<vmem>>) target(%dma_start3A_417 : memref<32x128xf32, #tpu.memory_space<hbm>>) target_semaphore(%arg24 : memref<!tpu.dma_semaphore, #tpu.memory_space<semaphore_mem>>)
      } else {
      }
    }
    %scan3A_82 = arith.constant 256 : i32
    %mul3A_83 = arith.constant 2048 : i32
    %mul3A_84 = arith.muli %select_n3A, %mul3A_83 : i32
    %add3A_85 = arith.addi %mul3A_84, %mul3A_32 : i32
    %add3A_86 = arith.constant 256 : i32
    %add3A_87 = arith.addi %add3A_85, %add3A_86 : i32
    %sub3A_88 = arith.constant 1 : i32
    %sub3A_89 = arith.subi %add3A_87, %sub3A_88 : i32
    %dma_wait3A = arith.constant 2 : i32
    %dma_wait3A_90 = arith.constant 2 : i32
    %dma_wait3A_91 = arith.constant 0 : i32
    %dma_wait3A_92 = arith.constant 0 : i32
    %dma_wait3A_93 = tpu.memref_slice %arg19[%dma_wait3A_90, %dma_wait3A_91, %dma_wait3A_92] : memref<3x32x128xf32, #tpu.memory_space<vmem>> -> memref<1x32x128xf32, #tpu.memory_space<vmem>>
    %dma_wait3A_94 = tpu.memref_squeeze %dma_wait3A_93 : memref<1x32x128xf32, #tpu.memory_space<vmem>> -> memref<32x128xf32, #tpu.memory_space<vmem>>
    %dma_wait3A_95 = arith.constant 0 : i32
    %dma_wait3A_96 = tpu.memref_slice %arg18[%dma_wait3A, %dma_wait3A_95] : memref<3x32xi32, #tpu.memory_space<vmem>> -> memref<1x32xi32, #tpu.memory_space<vmem>>
    %dma_wait3A_97 = tpu.memref_squeeze %dma_wait3A_96 : memref<1x32xi32, #tpu.memory_space<vmem>> -> memref<32xi32, #tpu.memory_space<vmem>>
    %dma_wait3A_98 = arith.constant 0 : i32
    %dma_wait3A_99 = arith.constant 0 : i32
    %dma_wait3A_100 = tpu.memref_slice %arg4[%dma_wait3A_98, %dma_wait3A_99] : memref<32768x128xf32, #tpu.memory_space<hbm>> -> memref<32768x128xf32, #tpu.memory_space<hbm>>
    tpu.wait_indirect_dma semaphore(%arg23 : memref<!tpu.dma_semaphore, #tpu.memory_space<semaphore_mem>>) src(%dma_wait3A_100 : memref<32768x128xf32, #tpu.memory_space<hbm>>) dst(%dma_wait3A_94 : memref<32x128xf32, #tpu.memory_space<vmem>>)
    %sub3A_101 = arith.constant 1 : i32
    %sub3A_102 = arith.subi %sub3A_89, %sub3A_101 : i32
    %dma_start3A = arith.constant 2 : i32
    %dma_start3A_103 = arith.constant 0 : i32
    %dma_start3A_104 = arith.constant 0 : i32
    %dma_start3A_105 = tpu.memref_slice %arg19[%dma_start3A, %dma_start3A_103, %dma_start3A_104] : memref<3x32x128xf32, #tpu.memory_space<vmem>> -> memref<1x32x128xf32, #tpu.memory_space<vmem>>
    %dma_start3A_106 = tpu.memref_squeeze %dma_start3A_105 : memref<1x32x128xf32, #tpu.memory_space<vmem>> -> memref<32x128xf32, #tpu.memory_space<vmem>>
    %dma_start3A_107 = arith.constant 0 : i32
    %dma_start3A_108 = arith.constant 0 : i32
    %dma_start3A_109 = tpu.memref_slice %arg5[%sub3A_102, %dma_start3A_107, %dma_start3A_108] : memref<8192x32x128xf32, #tpu.memory_space<hbm>> -> memref<1x32x128xf32, #tpu.memory_space<hbm>>
    %dma_start3A_110 = tpu.memref_squeeze %dma_start3A_109 : memref<1x32x128xf32, #tpu.memory_space<hbm>> -> memref<32x128xf32, #tpu.memory_space<hbm>>
    %dma_start3A_111 = arith.constant 0 : i32
    %dma_start3A_112 = arith.constant 0 : i32
    %dma_start3A_113 = tpu.memref_slice %arg5[%sub3A_102, %dma_start3A_111, %dma_start3A_112] : memref<8192x32x128xf32, #tpu.memory_space<hbm>> -> memref<1x32x128xf32, #tpu.memory_space<hbm>>
    %dma_start3A_114 = tpu.memref_squeeze %dma_start3A_113 : memref<1x32x128xf32, #tpu.memory_space<hbm>> -> memref<32x128xf32, #tpu.memory_space<hbm>>
    %dma_start3A_115 = arith.constant 0 : i32
    %dma_start3A_116 = arith.constant 0 : i32
    %dma_start3A_117 = tpu.memref_slice %arg19[%dma_start3A, %dma_start3A_115, %dma_start3A_116] : memref<3x32x128xf32, #tpu.memory_space<vmem>> -> memref<1x32x128xf32, #tpu.memory_space<vmem>>
    %dma_start3A_118 = tpu.memref_squeeze %dma_start3A_117 : memref<1x32x128xf32, #tpu.memory_space<vmem>> -> memref<32x128xf32, #tpu.memory_space<vmem>>
    tpu.enqueue_dma source(%dma_start3A_118 : memref<32x128xf32, #tpu.memory_space<vmem>>) target(%dma_start3A_114 : memref<32x128xf32, #tpu.memory_space<hbm>>) target_semaphore(%arg24 : memref<!tpu.dma_semaphore, #tpu.memory_space<semaphore_mem>>)
    %dma_wait3A_119 = arith.constant 0 : i32
    %dma_wait3A_120 = arith.constant 0 : i32
    %dma_wait3A_121 = arith.constant 0 : i32
    %dma_wait3A_122 = arith.constant 0 : i32
    %dma_wait3A_123 = tpu.memref_slice %arg19[%dma_wait3A_120, %dma_wait3A_121, %dma_wait3A_122] : memref<3x32x128xf32, #tpu.memory_space<vmem>> -> memref<1x32x128xf32, #tpu.memory_space<vmem>>
    %dma_wait3A_124 = tpu.memref_squeeze %dma_wait3A_123 : memref<1x32x128xf32, #tpu.memory_space<vmem>> -> memref<32x128xf32, #tpu.memory_space<vmem>>
    %dma_wait3A_125 = arith.constant 0 : i32
    %dma_wait3A_126 = tpu.memref_slice %arg18[%dma_wait3A_119, %dma_wait3A_125] : memref<3x32xi32, #tpu.memory_space<vmem>> -> memref<1x32xi32, #tpu.memory_space<vmem>>
    %dma_wait3A_127 = tpu.memref_squeeze %dma_wait3A_126 : memref<1x32xi32, #tpu.memory_space<vmem>> -> memref<32xi32, #tpu.memory_space<vmem>>
    %dma_wait3A_128 = arith.constant 0 : i32
    %dma_wait3A_129 = arith.constant 0 : i32
    %dma_wait3A_130 = tpu.memref_slice %arg4[%dma_wait3A_128, %dma_wait3A_129] : memref<32768x128xf32, #tpu.memory_space<hbm>> -> memref<32768x128xf32, #tpu.memory_space<hbm>>
    tpu.wait_indirect_dma semaphore(%arg23 : memref<!tpu.dma_semaphore, #tpu.memory_space<semaphore_mem>>) src(%dma_wait3A_130 : memref<32768x128xf32, #tpu.memory_space<hbm>>) dst(%dma_wait3A_124 : memref<32x128xf32, #tpu.memory_space<vmem>>)
    %dma_start3A_131 = arith.constant 0 : i32
    %dma_start3A_132 = arith.constant 0 : i32
    %dma_start3A_133 = arith.constant 0 : i32
    %dma_start3A_134 = tpu.memref_slice %arg19[%dma_start3A_131, %dma_start3A_132, %dma_start3A_133] : memref<3x32x128xf32, #tpu.memory_space<vmem>> -> memref<1x32x128xf32, #tpu.memory_space<vmem>>
    %dma_start3A_135 = tpu.memref_squeeze %dma_start3A_134 : memref<1x32x128xf32, #tpu.memory_space<vmem>> -> memref<32x128xf32, #tpu.memory_space<vmem>>
    %dma_start3A_136 = arith.constant 0 : i32
    %dma_start3A_137 = arith.constant 0 : i32
    %dma_start3A_138 = tpu.memref_slice %arg5[%sub3A_89, %dma_start3A_136, %dma_start3A_137] : memref<8192x32x128xf32, #tpu.memory_space<hbm>> -> memref<1x32x128xf32, #tpu.memory_space<hbm>>
    %dma_start3A_139 = tpu.memref_squeeze %dma_start3A_138 : memref<1x32x128xf32, #tpu.memory_space<hbm>> -> memref<32x128xf32, #tpu.memory_space<hbm>>
    %dma_start3A_140 = arith.constant 0 : i32
    %dma_start3A_141 = arith.constant 0 : i32
    %dma_start3A_142 = tpu.memref_slice %arg5[%sub3A_89, %dma_start3A_140, %dma_start3A_141] : memref<8192x32x128xf32, #tpu.memory_space<hbm>> -> memref<1x32x128xf32, #tpu.memory_space<hbm>>
    %dma_start3A_143 = tpu.memref_squeeze %dma_start3A_142 : memref<1x32x128xf32, #tpu.memory_space<hbm>> -> memref<32x128xf32, #tpu.memory_space<hbm>>
    %dma_start3A_144 = arith.constant 0 : i32
    %dma_start3A_145 = arith.constant 0 : i32
    %dma_start3A_146 = tpu.memref_slice %arg19[%dma_start3A_131, %dma_start3A_144, %dma_start3A_145] : memref<3x32x128xf32, #tpu.memory_space<vmem>> -> memref<1x32x128xf32, #tpu.memory_space<vmem>>
    %dma_start3A_147 = tpu.memref_squeeze %dma_start3A_146 : memref<1x32x128xf32, #tpu.memory_space<vmem>> -> memref<32x128xf32, #tpu.memory_space<vmem>>
    tpu.enqueue_dma source(%dma_start3A_147 : memref<32x128xf32, #tpu.memory_space<vmem>>) target(%dma_start3A_143 : memref<32x128xf32, #tpu.memory_space<hbm>>) target_semaphore(%arg24 : memref<!tpu.dma_semaphore, #tpu.memory_space<semaphore_mem>>)
    %sub3A_148 = arith.constant 2 : i32
    %sub3A_149 = arith.subi %sub3A_89, %sub3A_148 : i32
    %dma_wait3A_150 = arith.constant 1 : i32
    %dma_wait3A_151 = arith.constant 0 : i32
    %dma_wait3A_152 = arith.constant 0 : i32
    %dma_wait3A_153 = tpu.memref_slice %arg19[%dma_wait3A_150, %dma_wait3A_151, %dma_wait3A_152] : memref<3x32x128xf32, #tpu.memory_space<vmem>> -> memref<1x32x128xf32, #tpu.memory_space<vmem>>
    %dma_wait3A_154 = tpu.memref_squeeze %dma_wait3A_153 : memref<1x32x128xf32, #tpu.memory_space<vmem>> -> memref<32x128xf32, #tpu.memory_space<vmem>>
    %dma_wait3A_155 = arith.constant 0 : i32
    %dma_wait3A_156 = arith.constant 0 : i32
    %dma_wait3A_157 = tpu.memref_slice %arg5[%sub3A_149, %dma_wait3A_155, %dma_wait3A_156] : memref<8192x32x128xf32, #tpu.memory_space<hbm>> -> memref<1x32x128xf32, #tpu.memory_space<hbm>>
    %dma_wait3A_158 = tpu.memref_squeeze %dma_wait3A_157 : memref<1x32x128xf32, #tpu.memory_space<hbm>> -> memref<32x128xf32, #tpu.memory_space<hbm>>
    %dma_wait3A_159 = arith.constant 0 : i32
    %dma_wait3A_160 = arith.constant 0 : i32
    %dma_wait3A_161 = tpu.memref_slice %arg5[%sub3A_149, %dma_wait3A_159, %dma_wait3A_160] : memref<8192x32x128xf32, #tpu.memory_space<hbm>> -> memref<1x32x128xf32, #tpu.memory_space<hbm>>
    %dma_wait3A_162 = tpu.memref_squeeze %dma_wait3A_161 : memref<1x32x128xf32, #tpu.memory_space<hbm>> -> memref<32x128xf32, #tpu.memory_space<hbm>>
    %dma_wait3A_163 = arith.constant 0 : i32
    %dma_wait3A_164 = arith.constant 0 : i32
    %dma_wait3A_165 = tpu.memref_slice %arg19[%dma_wait3A_150, %dma_wait3A_163, %dma_wait3A_164] : memref<3x32x128xf32, #tpu.memory_space<vmem>> -> memref<1x32x128xf32, #tpu.memory_space<vmem>>
    %dma_wait3A_166 = tpu.memref_squeeze %dma_wait3A_165 : memref<1x32x128xf32, #tpu.memory_space<vmem>> -> memref<32x128xf32, #tpu.memory_space<vmem>>
    tpu.wait_dma2 semaphore(%arg24 : memref<!tpu.dma_semaphore, #tpu.memory_space<semaphore_mem>>) src(%dma_wait3A_166 : memref<32x128xf32, #tpu.memory_space<vmem>>) dst(%dma_wait3A_162 : memref<32x128xf32, #tpu.memory_space<hbm>>)
    %sub3A_167 = arith.constant 1 : i32
    %sub3A_168 = arith.subi %sub3A_89, %sub3A_167 : i32
    %dma_wait3A_169 = arith.constant 2 : i32
    %dma_wait3A_170 = arith.constant 0 : i32
    %dma_wait3A_171 = arith.constant 0 : i32
    %dma_wait3A_172 = tpu.memref_slice %arg19[%dma_wait3A_169, %dma_wait3A_170, %dma_wait3A_171] : memref<3x32x128xf32, #tpu.memory_space<vmem>> -> memref<1x32x128xf32, #tpu.memory_space<vmem>>
    %dma_wait3A_173 = tpu.memref_squeeze %dma_wait3A_172 : memref<1x32x128xf32, #tpu.memory_space<vmem>> -> memref<32x128xf32, #tpu.memory_space<vmem>>
    %dma_wait3A_174 = arith.constant 0 : i32
    %dma_wait3A_175 = arith.constant 0 : i32
    %dma_wait3A_176 = tpu.memref_slice %arg5[%sub3A_168, %dma_wait3A_174, %dma_wait3A_175] : memref<8192x32x128xf32, #tpu.memory_space<hbm>> -> memref<1x32x128xf32, #tpu.memory_space<hbm>>
    %dma_wait3A_177 = tpu.memref_squeeze %dma_wait3A_176 : memref<1x32x128xf32, #tpu.memory_space<hbm>> -> memref<32x128xf32, #tpu.memory_space<hbm>>
    %dma_wait3A_178 = arith.constant 0 : i32
    %dma_wait3A_179 = arith.constant 0 : i32
    %dma_wait3A_180 = tpu.memref_slice %arg5[%sub3A_168, %dma_wait3A_178, %dma_wait3A_179] : memref<8192x32x128xf32, #tpu.memory_space<hbm>> -> memref<1x32x128xf32, #tpu.memory_space<hbm>>
    %dma_wait3A_181 = tpu.memref_squeeze %dma_wait3A_180 : memref<1x32x128xf32, #tpu.memory_space<hbm>> -> memref<32x128xf32, #tpu.memory_space<hbm>>
    %dma_wait3A_182 = arith.constant 0 : i32
    %dma_wait3A_183 = arith.constant 0 : i32
    %dma_wait3A_184 = tpu.memref_slice %arg19[%dma_wait3A_169, %dma_wait3A_182, %dma_wait3A_183] : memref<3x32x128xf32, #tpu.memory_space<vmem>> -> memref<1x32x128xf32, #tpu.memory_space<vmem>>
    %dma_wait3A_185 = tpu.memref_squeeze %dma_wait3A_184 : memref<1x32x128xf32, #tpu.memory_space<vmem>> -> memref<32x128xf32, #tpu.memory_space<vmem>>
    tpu.wait_dma2 semaphore(%arg24 : memref<!tpu.dma_semaphore, #tpu.memory_space<semaphore_mem>>) src(%dma_wait3A_185 : memref<32x128xf32, #tpu.memory_space<vmem>>) dst(%dma_wait3A_181 : memref<32x128xf32, #tpu.memory_space<hbm>>)
    %dma_wait3A_186 = arith.constant 0 : i32
    %dma_wait3A_187 = arith.constant 0 : i32
    %dma_wait3A_188 = arith.constant 0 : i32
    %dma_wait3A_189 = tpu.memref_slice %arg19[%dma_wait3A_186, %dma_wait3A_187, %dma_wait3A_188] : memref<3x32x128xf32, #tpu.memory_space<vmem>> -> memref<1x32x128xf32, #tpu.memory_space<vmem>>
    %dma_wait3A_190 = tpu.memref_squeeze %dma_wait3A_189 : memref<1x32x128xf32, #tpu.memory_space<vmem>> -> memref<32x128xf32, #tpu.memory_space<vmem>>
    %dma_wait3A_191 = arith.constant 0 : i32
    %dma_wait3A_192 = arith.constant 0 : i32
    %dma_wait3A_193 = tpu.memref_slice %arg5[%sub3A_89, %dma_wait3A_191, %dma_wait3A_192] : memref<8192x32x128xf32, #tpu.memory_space<hbm>> -> memref<1x32x128xf32, #tpu.memory_space<hbm>>
    %dma_wait3A_194 = tpu.memref_squeeze %dma_wait3A_193 : memref<1x32x128xf32, #tpu.memory_space<hbm>> -> memref<32x128xf32, #tpu.memory_space<hbm>>
    %dma_wait3A_195 = arith.constant 0 : i32
    %dma_wait3A_196 = arith.constant 0 : i32
    %dma_wait3A_197 = tpu.memref_slice %arg5[%sub3A_89, %dma_wait3A_195, %dma_wait3A_196] : memref<8192x32x128xf32, #tpu.memory_space<hbm>> -> memref<1x32x128xf32, #tpu.memory_space<hbm>>
    %dma_wait3A_198 = tpu.memref_squeeze %dma_wait3A_197 : memref<1x32x128xf32, #tpu.memory_space<hbm>> -> memref<32x128xf32, #tpu.memory_space<hbm>>
    %dma_wait3A_199 = arith.constant 0 : i32
    %dma_wait3A_200 = arith.constant 0 : i32
    %dma_wait3A_201 = tpu.memref_slice %arg19[%dma_wait3A_186, %dma_wait3A_199, %dma_wait3A_200] : memref<3x32x128xf32, #tpu.memory_space<vmem>> -> memref<1x32x128xf32, #tpu.memory_space<vmem>>
    %dma_wait3A_202 = tpu.memref_squeeze %dma_wait3A_201 : memref<1x32x128xf32, #tpu.memory_space<vmem>> -> memref<32x128xf32, #tpu.memory_space<vmem>>
    tpu.wait_dma2 semaphore(%arg24 : memref<!tpu.dma_semaphore, #tpu.memory_space<semaphore_mem>>) src(%dma_wait3A_202 : memref<32x128xf32, #tpu.memory_space<vmem>>) dst(%dma_wait3A_198 : memref<32x128xf32, #tpu.memory_space<hbm>>)
    %mul3A_203 = arith.constant 3 : i32
    %mul3A_204 = arith.muli %select_n3A, %mul3A_203 : i32
    %add3A_205 = arith.constant 0 : i32
    %add3A_206 = arith.addi %mul3A_204, %add3A_205 : i32
    %mul3A_207 = arith.constant 2048 : i32
    %mul3A_208 = arith.muli %add3A_206, %mul3A_207 : i32
    %add3A_209 = arith.addi %mul3A_208, %mul3A_32 : i32
    %mul3A_210 = arith.constant 32 : i32
    %mul3A_211 = arith.muli %add3A_209, %mul3A_210 : i32
    "tpu.region"() ({
      %run_scoped3A = tpu.sem_alloc : memref<!tpu.dma_semaphore, #tpu.memory_space<semaphore_mem>>
      %dma_start3A_230 = tpu.memref_slice %arg6[%mul3A_211] : memref<786432xf32, #tpu.memory_space<hbm>> -> memref<8192xf32, #tpu.memory_space<hbm>>
      %dma_start3A_231 = tpu.memref_slice %arg6[%mul3A_211] : memref<786432xf32, #tpu.memory_space<hbm>> -> memref<8192xf32, #tpu.memory_space<hbm>>
      tpu.enqueue_dma source(%arg20 : memref<8192xf32, #tpu.memory_space<vmem>>) target(%dma_start3A_231 : memref<8192xf32, #tpu.memory_space<hbm>>) target_semaphore(%run_scoped3A : memref<!tpu.dma_semaphore, #tpu.memory_space<semaphore_mem>>)
      %dma_wait3A_232 = tpu.memref_slice %arg6[%mul3A_211] : memref<786432xf32, #tpu.memory_space<hbm>> -> memref<8192xf32, #tpu.memory_space<hbm>>
      %dma_wait3A_233 = tpu.memref_slice %arg6[%mul3A_211] : memref<786432xf32, #tpu.memory_space<hbm>> -> memref<8192xf32, #tpu.memory_space<hbm>>
      tpu.wait_dma2 semaphore(%run_scoped3A : memref<!tpu.dma_semaphore, #tpu.memory_space<semaphore_mem>>) src(%arg20 : memref<8192xf32, #tpu.memory_space<vmem>>) dst(%dma_wait3A_233 : memref<8192xf32, #tpu.memory_space<hbm>>)
      tpu.yield
    }) : () -> ()
    %mul3A_212 = arith.constant 3 : i32
    %mul3A_213 = arith.muli %select_n3A, %mul3A_212 : i32
    %add3A_214 = arith.constant 1 : i32
    %add3A_215 = arith.addi %mul3A_213, %add3A_214 : i32
    %mul3A_216 = arith.constant 2048 : i32
    %mul3A_217 = arith.muli %add3A_215, %mul3A_216 : i32
    %add3A_218 = arith.addi %mul3A_217, %mul3A_32 : i32
    %mul3A_219 = arith.constant 32 : i32
    %mul3A_220 = arith.muli %add3A_218, %mul3A_219 : i32
    "tpu.region"() ({
      %run_scoped3A = tpu.sem_alloc : memref<!tpu.dma_semaphore, #tpu.memory_space<semaphore_mem>>
      %dma_start3A_230 = tpu.memref_slice %arg6[%mul3A_220] : memref<786432xf32, #tpu.memory_space<hbm>> -> memref<8192xf32, #tpu.memory_space<hbm>>
      %dma_start3A_231 = tpu.memref_slice %arg6[%mul3A_220] : memref<786432xf32, #tpu.memory_space<hbm>> -> memref<8192xf32, #tpu.memory_space<hbm>>
      tpu.enqueue_dma source(%arg21 : memref<8192xf32, #tpu.memory_space<vmem>>) target(%dma_start3A_231 : memref<8192xf32, #tpu.memory_space<hbm>>) target_semaphore(%run_scoped3A : memref<!tpu.dma_semaphore, #tpu.memory_space<semaphore_mem>>)
      %dma_wait3A_232 = tpu.memref_slice %arg6[%mul3A_220] : memref<786432xf32, #tpu.memory_space<hbm>> -> memref<8192xf32, #tpu.memory_space<hbm>>
      %dma_wait3A_233 = tpu.memref_slice %arg6[%mul3A_220] : memref<786432xf32, #tpu.memory_space<hbm>> -> memref<8192xf32, #tpu.memory_space<hbm>>
      tpu.wait_dma2 semaphore(%run_scoped3A : memref<!tpu.dma_semaphore, #tpu.memory_space<semaphore_mem>>) src(%arg21 : memref<8192xf32, #tpu.memory_space<vmem>>) dst(%dma_wait3A_233 : memref<8192xf32, #tpu.memory_space<hbm>>)
      tpu.yield
    }) : () -> ()
    %mul3A_221 = arith.constant 3 : i32
    %mul3A_222 = arith.muli %select_n3A, %mul3A_221 : i32
    %add3A_223 = arith.constant 2 : i32
    %add3A_224 = arith.addi %mul3A_222, %add3A_223 : i32
    %mul3A_225 = arith.constant 2048 : i32
    %mul3A_226 = arith.muli %add3A_224, %mul3A_225 : i32
    %add3A_227 = arith.addi %mul3A_226, %mul3A_32 : i32
    %mul3A_228 = arith.constant 32 : i32
    %mul3A_229 = arith.muli %add3A_227, %mul3A_228 : i32
    "tpu.region"() ({
      %run_scoped3A = tpu.sem_alloc : memref<!tpu.dma_semaphore, #tpu.memory_space<semaphore_mem>>
      %dma_start3A_230 = tpu.memref_slice %arg6[%mul3A_229] : memref<786432xf32, #tpu.memory_space<hbm>> -> memref<8192xf32, #tpu.memory_space<hbm>>
      %dma_start3A_231 = tpu.memref_slice %arg6[%mul3A_229] : memref<786432xf32, #tpu.memory_space<hbm>> -> memref<8192xf32, #tpu.memory_space<hbm>>
      tpu.enqueue_dma source(%arg22 : memref<8192xf32, #tpu.memory_space<vmem>>) target(%dma_start3A_231 : memref<8192xf32, #tpu.memory_space<hbm>>) target_semaphore(%run_scoped3A : memref<!tpu.dma_semaphore, #tpu.memory_space<semaphore_mem>>)
      %dma_wait3A_232 = tpu.memref_slice %arg6[%mul3A_229] : memref<786432xf32, #tpu.memory_space<hbm>> -> memref<8192xf32, #tpu.memory_space<hbm>>
      %dma_wait3A_233 = tpu.memref_slice %arg6[%mul3A_229] : memref<786432xf32, #tpu.memory_space<hbm>> -> memref<8192xf32, #tpu.memory_space<hbm>>
      tpu.wait_dma2 semaphore(%run_scoped3A : memref<!tpu.dma_semaphore, #tpu.memory_space<semaphore_mem>>) src(%arg22 : memref<8192xf32, #tpu.memory_space<vmem>>) dst(%dma_wait3A_233 : memref<8192xf32, #tpu.memory_space<hbm>>)
      tpu.yield
    }) : () -> ()
    return
  }
}

module attributes {stable_mosaic.version = 14 : i64} {
  func.func @body(%arg0: i32, %arg1: i32, %arg2: memref<1x3x8192xf32, #tpu.memory_space<vmem>>, %arg3: memref<1x256x32x128xf32, #tpu.memory_space<vmem>>, %arg4: memref<1x131x8192xf32, #tpu.memory_space<vmem>>) attributes {dimension_semantics = [#tpu.dimension_semantics<parallel>, #tpu.dimension_semantics<parallel>], iteration_bounds = array<i64: 4, 8>, scalar_prefetch = 0 : i64, scratch_operands = 0 : i64, tpu.core_type = #tpu.core_type<tc>, window_params = [{transform_indices = @transform_0, window_bounds = array<i64: 1, 3, 8192>}, {transform_indices = @transform_1, window_bounds = array<i64: 1, 256, 32, 128>}, {transform_indices = @transform_2, window_bounds = array<i64: 1, 131, 8192>}]} {
    %get3A = arith.constant 0 : index
    %get3A_0 = arith.constant 0 : index
    %get3A_1 = arith.constant 0 : index
    %get3A_2 = arith.constant 0 : index
    %get3A_3 = vector.load %arg3[%get3A, %get3A_0, %get3A_1, %get3A_2] : memref<1x256x32x128xf32, #tpu.memory_space<vmem>>, vector<1x256x32x128xf32>
    %get3A_4 = vector.shape_cast %get3A_3 : vector<1x256x32x128xf32> to vector<256x32x128xf32>
    %reshape3A = vector.shape_cast %get3A_4 : vector<256x32x128xf32> to vector<8192x128xf32>
    %transpose3A = tpu.transpose %reshape3A, [1, 0] : vector<8192x128xf32> -> vector<128x8192xf32>
    %get3A_5 = arith.constant 0 : index
    %get3A_6 = arith.constant 0 : index
    %get3A_7 = arith.constant 0 : index
    %get3A_8 = vector.load %arg2[%get3A_5, %get3A_6, %get3A_7] : memref<1x3x8192xf32, #tpu.memory_space<vmem>>, vector<1x3x8192xf32>
    %get3A_9 = vector.shape_cast %get3A_8 : vector<1x3x8192xf32> to vector<3x8192xf32>
    %concatenate3A = tpu.concatenate %get3A_9, %transpose3A in 0 : vector<3x8192xf32>, vector<128x8192xf32> -> vector<131x8192xf32>
    %swap3A = arith.constant 0 : index
    %swap3A_10 = arith.constant 0 : index
    %swap3A_11 = arith.constant 0 : index
    %swap3A_12 = vector.load %arg4[%swap3A, %swap3A_10, %swap3A_11] : memref<1x131x8192xf32, #tpu.memory_space<vmem>>, vector<1x131x8192xf32>
    %swap3A_13 = vector.shape_cast %swap3A_12 : vector<1x131x8192xf32> to vector<131x8192xf32>
    %swap3A_14 = vector.shape_cast %concatenate3A : vector<131x8192xf32> to vector<1x131x8192xf32>
    tpu.vector_store %arg4[%swap3A, %swap3A_10, %swap3A_11], %swap3A_14 {strides = array<i32>} : memref<1x131x8192xf32, #tpu.memory_space<vmem>>, vector<1x131x8192xf32>,
    return
  }
  func.func @transform_0(%arg0: i32, %arg1: i32) -> (i32, i32, i32) {
    %c0_i32 = arith.constant 0 : i32
    %c0_i32_0 = arith.constant 0 : i32
    return %arg0, %c0_i32, %arg1 : i32, i32, i32
  }
  func.func @transform_1(%arg0: i32, %arg1: i32) -> (i32, i32, i32, i32) {
    %c0_i32 = arith.constant 0 : i32
    %c0_i32_0 = arith.constant 0 : i32
    %c0_i32_1 = arith.constant 0 : i32
    return %arg0, %arg1, %c0_i32, %c0_i32_0 : i32, i32, i32, i32
  }
  func.func @transform_2(%arg0: i32, %arg1: i32) -> (i32, i32, i32) {
    %c0_i32 = arith.constant 0 : i32
    %c0_i32_0 = arith.constant 0 : i32
    return %arg0, %c0_i32, %arg1 : i32, i32, i32
  }
}

</mosaic_0001>

<sc_bundles>
// kernel: kernel.4.cloned.1.call-start
scs
__scs_entry_jumppad:
0x0: {  	(pc) =	sbr.rel $0x88, $3  }
0x1: {  	(tag) =	ssettag $0x0;
	lr =	simm.s32 $0x1  }
0x2: {  	[smem:$0x3F9E] =	sst lr;
	_ =	strace $0xD0000000  }
0x3: {  	_ = 	snop  }
0x4: {  	_ = 	snop  }
0x5: {  	_ = 	snop  }
0x6: {  	_ = 	snop  }
0x7: {  	_ = 	snop  }
__scs_overlays_trampoline_lowered:
0x8: {  	[smem:$0x3FAD] =	sst s0  }
0x9: {  	[smem:$0x3FAE] =	sst s1  }
0xa: {  	[smem:$0x3FAF] =	sst s2  }
0xb: {  	[smem:$0x3FB0] =	sst s3  }
0xc: {  	[smem:$0x3FB1] =	sst s4  }
0xd: {  	[smem:$0x3FB2] =	sst s5  }
0xe: {  	[smem:$0x3FB3] =	sst s6  }
0xf: {  	[smem:$0x3FB4] =	sst s7  }
0x10: {  	[smem:$0x3FB5] =	sst s8  }
0x11: {  	[smem:$0x3FB6] =	sst s9;
	s0 =	simm.s32 @!p0 $0x0  }
0x12: {  	s1 =	sld [smem:$0x3F9C];
	s0 =	simm.s32 @p0 $0x1  }
0x13: {  	[smem:$0x3FB7] =	sst s0;
	s0 =	simm.s32 @!p1 $0x0  }
0x14: {  	s2 =	sld [smem:$0x3F9B];
	s0 =	simm.s32 @p1 $0x1  }
0x15: {  	[smem:$0x3FB8] =	sst s0;
	s0 =	simm.s32 @!p2 $0x0  }
0x16: {  	s3 =	sld [smem:$0x3FDB];
	s0 =	simm.s32 @p2 $0x1  }
0x17: {  	s4 =	simm.s32 $0x1BF5;
	[smem:$0x3FBA] =	sst s0  }
0x18: {  	s0 =	sld [smem:$0x3F9D];
	_ =	swait.ge [sflag:s4], $0x0  }
0x19: {  	s7 =	sld [smem:$0x3F9E]  }
0x1a: {  	s8 =	sadd.s32 $0xFFFFE003, lr  }
0x1b: {  	s9 =	sadd.s32 $0xFFFFFEF7, lr;
	s5 =	simm.s32 $0xFFFFFFFF;
	p2 =	slt.u32 s8, $0xFFFFF086  }
0x1c: {  	p1 =	slt.u32 s9, $0xF7A;
	s5 =	simm.s32 @!p2 $0x0  }
0x1d: {  	s5 =	simm.s32 @p1 $0x1;
	p0 =	seq.s32 s7, s2  }
0x1e: {  	s7 =	smul.u32 @!p0 $0xF7A, s2;
	p2 =	seq.s32 @!p0 s5, $0x0  }
0x1f: {  	s9 =	smul.u32 $0xF7A, s1;
	s8 =	simm.s32 @!p0 $0x1BF5;
	p2 =	por !p2, p0  }
0x20: {  	[sflag:s8] =	ssyncset.s32 @!p0 $0xFFFFF086;
	s6 =	sadd.s32 @!p0 s3, s7;
	s7 =	simm.s32 @!p0 $0x108  }
0x21: {  	s3 =	sadd.s32 s3, s9;
	s6 =	sadd.s32 @!p0 $0x88, s6;
	s7 =	simm.s32 @p2 $0x1082  }
0x22: {  	[simem:s7], [sflag:s8] =	dma.local @!p0 [hbm:s6], $0xF7A  }
0x23: {  	s9 =	sor.u32 $0xD0000000, s2;
	s6 =	simm.s32 $0x108;
	_ =	swait.ge @!p0 [sflag:s8], $0x0  }
0x24: {  	s3 =	sadd.s32 $0x88, s3;
	s6 =	simm.s32 @!p1 $0x1082;
	[sflag:s4] =	ssyncset.s32 $0xFFFFF086  }
0x25: {  	[simem:s6], [sflag:s4] =	dma.local [hbm:s3], $0xF7A  }
0x26: {  	[smem:$0x3F9E] =	sst s1;
	(tag) =	ssettag s2;
	_ =	strace s9  }
0x27: {  	s1 =	sld [smem:$0x3FAE]  }
0x28: {  	s2 =	sld [smem:$0x3FAF]  }
0x29: {  	s4 =	sld [smem:$0x3FB1]  }
0x2a: {  	p0 =	seq.s32 s5, $0x0;
	s5 =	sld [smem:$0x3FB2]  }
0x2b: {  	s6 =	sld [smem:$0x3FB3]  }
0x2c: {  	s7 =	sld [smem:$0x3FB4]  }
0x2d: {  	s3 =	simm.s32 $0x108;
	s8 =	sld [smem:$0x3FB5]  }
0x2e: {  	s3 =	simm.s32 @!p0 $0x1082;
	s9 =	sld [smem:$0x3FB6]  }
0x2f: {  	lr =	sadd.s32 s0, s3;
	s0 =	sld [smem:$0x3FAD]  }
0x30: {  	s3 =	sld [smem:$0x3FB0]  }
0x31: {  	[smem:$0x3FB9] =	sst s10  }
0x32: {  	s10 =	sld [smem:$0x3FB7];
	_ =	sdelay $0x3  }
0x33: {  	p0 =	seq.s32 s10, $0x1;
	s10 =	sld [smem:$0x3FB9];
	_ =	sdelay $0x3  }
0x34: {  	[smem:$0x3FB9] =	sst s10  }
0x35: {  	s10 =	sld [smem:$0x3FB8];
	_ =	sdelay $0x3  }
0x36: {  	p1 =	seq.s32 s10, $0x1;
	s10 =	sld [smem:$0x3FB9];
	_ =	sdelay $0x3  }
0x37: {  	[smem:$0x3FB9] =	sst s10  }
0x38: {  	s10 =	sld [smem:$0x3FBA]  }
0x39: {  	_ = 	snop;
	(pc) =	sbr.ind lr, $3  }
0x3a: {  	_ = 	snop  }
0x3b: {  	_ = 	snop  }
0x3c: {  	p2 =	seq.s32 s10, $0x1;
	s10 =	sld [smem:$0x3FB9]  }
0x3d: {  	_ =	shalt  }
0x3e: {  	_ =	shalt  }
0x3f: {  	_ =	shalt  }
0x40: {  	_ =	shalt  }
0x41: {  	_ =	shalt  }
0x42: {  	_ =	shalt  }
0x43: {  	_ =	shalt  }
0x44: {  	_ =	shalt  }
0x45: {  	_ =	shalt  }
0x46: {  	_ =	shalt  }
0x47: {  	_ =	shalt  }
0x48: {  	_ =	shalt  }
0x49: {  	_ =	shalt  }
0x4a: {  	_ =	shalt  }
0x4b: {  	_ =	shalt  }
0x4c: {  	_ =	shalt  }
0x4d: {  	_ =	shalt  }
0x4e: {  	_ =	shalt  }
0x4f: {  	_ =	shalt  }
0x50: {  	_ =	shalt  }
0x51: {  	_ =	shalt  }
0x52: {  	_ =	shalt  }
0x53: {  	_ =	shalt  }
0x54: {  	_ =	shalt  }
0x55: {  	_ =	shalt  }
0x56: {  	_ =	shalt  }
0x57: {  	_ =	shalt  }
0x58: {  	_ =	shalt  }
0x59: {  	_ =	shalt  }
0x5a: {  	_ =	shalt  }
0x5b: {  	_ =	shalt  }
0x5c: {  	_ =	shalt  }
0x5d: {  	_ =	shalt  }
0x5e: {  	_ =	shalt  }
0x5f: {  	_ =	shalt  }
0x60: {  	_ =	shalt  }
0x61: {  	_ =	shalt  }
0x62: {  	_ =	shalt  }
0x63: {  	_ =	shalt  }
0x64: {  	_ =	shalt  }
0x65: {  	_ =	shalt  }
0x66: {  	_ =	shalt  }
0x67: {  	_ =	shalt  }
0x68: {  	_ =	shalt  }
0x69: {  	_ =	shalt  }
0x6a: {  	_ =	shalt  }
0x6b: {  	_ =	shalt  }
0x6c: {  	_ =	shalt  }
0x6d: {  	_ =	shalt  }
0x6e: {  	_ =	shalt  }
0x6f: {  	_ =	shalt  }
0x70: {  	_ =	shalt  }
0x71: {  	_ =	shalt  }
0x72: {  	_ =	shalt  }
0x73: {  	_ =	shalt  }
0x74: {  	_ =	shalt  }
0x75: {  	_ =	shalt  }
0x76: {  	_ =	shalt  }
0x77: {  	_ =	shalt  }
0x78: {  	_ =	shalt  }
0x79: {  	_ =	shalt  }
0x7a: {  	_ =	shalt  }
0x7b: {  	_ =	shalt  }
0x7c: {  	_ =	shalt  }
0x7d: {  	_ =	shalt  }
0x7e: {  	_ =	shalt  }
0x7f: {  	_ =	shalt  }
0x80: {  	_ =	shalt  }
0x81: {  	_ =	shalt  }
0x82: {  	_ =	shalt  }
0x83: {  	_ =	shalt  }
0x84: {  	_ =	shalt  }
0x85: {  	_ =	shalt  }
0x86: {  	_ =	shalt  }
0x87: {  	_ =	shalt  }
.Lfunc_end0:
.L_simem_size_0:
called_computation.1_lowered:
.L_overlay_start_0:
0x88: {  	s2 =	sld [smem:$0x3FD9]  }
0x89: {  	s3 =	sld [smem:$0x3FFE];
	_ =	sdelay $0x1  }
0x8a: {  	s1 =	srdreg.scid  }
0x8b: {  	s0 =	sand.u32 $0x1, s1  }
0x8c: {  	s17 =	sshll.u32 s0, $0xA;
	s2 =	sadd.s32 s3, s2  }
0x8d: {  	s2 =	sadd.s32 s2, s17  }
0x8e: {  	[smem:$0x3FC5] =	sst s2  }
0x8f: {  	_ = 	snop  }
0x90: {  	s2 =	sld [smem:$0x3FD0];
	(tm) =	ssettm $0x1  }
0x91: {  	s18 =	sld [smem:$0x3FFB];
	_ =	sdelay $0x3  }
0x92: {  	_ =	strace s18  }
0x93: {  	s3 =	sld [smem:$0x3FFC];
	_ =	sdelay $0x3  }
0x94: {  	_ =	strace s3  }
0x95: {  	s3 =	sld [smem:$0x3FFD];
	_ =	sdelay $0x3  }
0x96: {  	_ =	strace s3  }
0x97: {  	_ =	strace $0x8FFFFFFF  }
0x98: {  	s19 =	sld [smem:$0x3FDB];
	_ =	sdelay $0x1  }
0x99: {  	s4 =	simm.s32 $_scs_section_size  }
0x9a: {  	s5 =	simm.s32 $_size__tile_overlayer_lowered;
	s6 =	simm.s32 $_tile_overlayer_lowered  }
0x9b: {  	s22 =	simm.s32 $0x1BFF;
	s21 =	sshll.u32 s6, $0x1;
	s3 =	sadd.s32 s4, s19  }
0x9c: {  	s7 =	simm.s32 $0x0;
	s20 =	sshll.u32 s5, $0x1;
	s5 =	sadd.s32 s21, s3  }
0x9d: {  	[timem:s7], [sflag:s22] =	dma.local [hbm:s5], s20  }
0x9e: {  	_ =	swait.ge [sflag:s22], s20  }
0x9f: {  	s4 =	ssub.s32 $0x0, s20;
	[sflag:s22] =	ssyncset.done $0x0  }
0xa0: {  	[sflag:s22] =	ssyncadd.s32 s4;
	_ =	sdelay $0x1  }
0xa1: {  	s23 =	simm.s32 $0x1B8B  }
0xa2: {  	_ =	swait.ge [sflag:s23], $0x1  }
0xa3: {  	[sflag:s23] =	ssyncset.done $0x0  }
0xa4: {  	s25 =	simm.s32 $0x1B8E;
	s24 =	sld [smem:$0x3FFE];
	[sflag:s23] =	ssyncadd.s32 $0xFFFFFFFF  }
0xa5: {  	s26 =	simm.s32 $execute0_lowered;
	[smem:$0x3FD2] =	sst s25  }
0xa6: {  	s5 =	sshll.u32 s26, $0x1;
	_ =	strace $0x80000046;
	[dreg:$0x1] =	wrdreg $0xFFFFFFFF  }
0xa7: {  	s28 =	simm.s32 $_size_execute0_lowered;
	s3 =	sadd.s32 s3, s5;
	[dreg:$0x0] =	wrdreg $0x0  }
0xa8: {  	s5 =	sshll.u32 s28, $0x1;
	[dreg:$0x2] =	wrdreg s3  }
0xa9: {  	[dreg:$0x3] =	wrdreg s5  }
0xaa: {  	[dreg:$0x4] =	wrdreg $0xC0  }
0xab: {  	_ =	task [dreg:s7], $0x5FFFF  }
0xac: {  	[dreg:$0x1] =	wrdreg $0xFFFFFFFF  }
0xad: {  	[dreg:$0x0] =	wrdreg $0x60  }
0xae: {  	[dreg:$0x2] =	wrdreg s24  }
0xaf: {  	[dreg:$0x3] =	wrdreg s2  }
0xb0: {  	[dreg:$0x4] =	wrdreg $0x9  }
0xb1: {  	_ =	task.clear_ibuf [dreg:s7], $0x5FFFF;
	_ =	strace $0x90000046  }
0xb2: {  	s29 =	simm.s32 $0x9;
	_ =	strace $0x80000048  }
0xb3: {  	_ =	swait.ge [sflag:s29], $0x1  }
0xb4: {  	[sflag:s29] =	ssyncadd.s32 $0xFFFFFFFF  }
0xb5: {  	_ =	strace $0x90000048  }
0xb6: {  	_ =	sfence  }
0xb7: {  	s30 =	sld [smem:$0x0];
	_ =	sdelay $0x2  }
0xb8: {  	s31 =	sshll.u32 s1, $0xD;
	s1 =	sshrl.u32 s1, $0x2  }
0xb9: {  	s3 =	sand.u32 $0x4000, s31;
	s1 =	sadd.s32 s1, s30  }
0xba: {  	s0 =	sor.u32 s3, s0;
	s1 =	sshll.u32 s1, $0x11  }
0xbb: {  	s0 =	sor.u32 s1, s0  }
0xbc: {  	s0 =	sadd.s32 $0x8F2B, s0  }
0xbd: {  	[sflag:s0] =	ssyncadd.remote.s32 $0x1  }
0xbe: {  	_ =	sfence.sel $0xFFFF  }
0xbf: {  	[dreg:$0x0] =	wrdreg $0xFFFFFFFF;
	(pc) =	sbr.abs _section_cstart, $3  }
0xc0: {  	[dreg:$0x1] =	wrdreg $0xFFFFFFFF  }
0xc1: {  	_ =	task.clear_ibuf [dreg:s7], $0x2FFFF;
	_ =	strace $0x9FFFFFFF  }
0xc2: {  	(tm) =	ssettm $0x7FFFFFFF  }
0xc3: {  	_ =	shalt  }
tec
execute0_lowered:
.L_overlay_start_1:
0x0: {  	(tag) =	ssettag $0x1  }
0x1: {  	s0 =	rddreg [dreg:$0x0]  }
0x2: {  	s1 =	rddreg [dreg:$0x1]  }
0x3: {  	s2 =	simm.s32 $0x0;
	s6 =	srdreg.scid;
	s9 =	stileid.u32  }
0x4: {  	s28 =	simm.s32 $0x1;
	s29 =	simm.s32 $0x0;
	[smem:$0x7FF] =	sst s2  }
0x5: {  	s3 =	sadd.s32 $0x1800, s0;
	s5 =	sadd.s32 $0xC00, s0;
	s4 =	sadd.s32 $0x4800, s0  }
0x6: {  	s6 =	sand.u32 $0x1, s6;
	s7 =	sshrl.u32 s9, $0x2;
	s9 =	sshll.u32 s9, $0x1  }
0x7: {  	s0 =	sadd.s32 $0x84800, s0;
	_ =	strace $0x80000047;
	s10 =	smul.u32 $0xC00, s7  }
0x8: {  	s8 =	ssub.s32 $0x2, s6;
	s9 =	sand.u32 $0x6, s9;
	s12 =	smul.u32 $0x3, s7  }
0x9: {  	s13 =	smul.u32 $0x1800, s7;
	s23 =	sshll.u32 s7, $0x14;
	s24 =	sshll.u32 s7, $0xB  }
0xa: {  	s7 =	sshll.u32 s7, $0xD;
	s11 =	sshrl.u32 s8, $0x1;
	s6 =	sor.u32 s6, s9  }
0xb: {  	s8 =	ssub.s32 s8, s11;
	s31 =	sshll.u32 s6, $0x8;
	s14 =	sadd.s32 s3, s10  }
0xc: {  	s15 =	sadd.s32 $0x1, s12;
	s12 =	sadd.s32 $0x2, s12;
	s6 =	sshll.u32 s6, $0x11  }
0xd: {  	[dreg:$0x3] =	wrdreg s14;
	s16 =	sshll.u32 s15, $0xA;
	s17 =	sshll.u32 s12, $0xA  }
0xe: {  	s9 =	sshll.u32 s15, $0xB;
	s18 =	sor.u32 s13, s31;
	s12 =	sshll.u32 s12, $0xB  }
0xf: {  	s6 =	sor.u32 s23, s6;
	s11 =	sor.u32 s24, s31;
	s23 =	simm.s32 $0xE200  }
0x10: {  	s24 =	simm.s32 $0xE300;
	s10 =	sadd.s32 s3, s16;
	s3 =	sadd.s32 s3, s17  }
0x11: {  	s14 =	sor.u32 s31, s9;
	s19 =	sshrl.u32 s18, $0x3;
	s15 =	sor.u32 s31, s12  }
0x12: {  	s25 =	sadd.s32 s6, s1;
	s17 =	smax.u32 s8, $0x1;
	[dreg:$0x4] =	wrdreg s10  }
0x13: {  	[dreg:$0x5] =	wrdreg s3;
	s20 =	sshrl.u32 s14, $0x3;
	s9 =	sadd.s32 s5, s19  }
0x14: {  	s22 =	sshrl.u32 s15, $0x3;
	s12 =	sadd.s32 $0x1FC00, s25;
	s13 =	sadd.s32 $0x1FE00, s25  }
0x15: {  	s26 =	sshll.u32 s14, $0x2;
	s3 =	sshll.u32 s18, $0x2;
	s30 =	sshll.u32 s15, $0x2  }
0x16: {  	s18 =	simm.s32 $0x3;
	s19 =	simm.s32 $0x2000;
	s25 =	simm.s32 $0x2  }
.Ltmp0:
0x17: {  	[dreg:$0x6] =	wrdreg s9;
	s21 =	sadd.s32 s5, s20;
	(pc) =	sbr.rel .LBB2_1-.Ltmp0, $4  }
0x18: {  	s5 =	sadd.s32 s5, s22;
	s14 =	sadd.s32 s0, s3;
	s31 =	sand.u32 $0x1FFFFC00, s30  }
0x19: {  	s20 =	simm.s32 $0x4000;
	s22 =	simm.s32 $0xE100;
	[dreg:$0x7] =	wrdreg s21  }
0x1a: {  	v0 =	vlaneseq.u32;
	[dreg:$0x8] =	wrdreg s5;
	s5 =	sand.u32 $0x1FFFFC00, s26;
	s16 =	sadd.s32 s0, s31  }
0x1b: {  	v2 =	vimm.s32 $0x0;
	v3 =	vor.u32 $0x10, v0;
	v1 =	vmov s7;
	s21 =	simm.s32 $0xE000;
	s26 =	simm.s32 $0x20;
	s15 =	sadd.s32 s0, s5  }
.LBB2_11:
0x1c: {  	_ =	swait.ge [sflag:s28], $0x1000  }
0x1d: {  	[sflag:s28] =	ssyncset.done $0x0  }
0x1e: {  	s0 =	simm.s32 $0x10600;
	[sflag:s28] =	ssyncadd.s32 $0xFFFFF000  }
0x1f: {  	[hbm4b:s12+s2] =	stream.linear.scatter [tilespmem:s0], [sflag:$0x2], $0x1000, $0x38;
	[tilespmem:$0x17600] =	vst v63  }
0x20: {  	_ =	swait.ge [sflag:s28], $0x1000  }
0x21: {  	[sflag:s28] =	ssyncset.done $0x0  }
0x22: {  	s9 =	simm.s32 $0xE600;
	[sflag:s28] =	ssyncadd.s32 $0xFFFFF000  }
0x23: {  	[hbm4b:s13+s2] =	stream.linear.scatter [tilespmem:s9], [sflag:$0x2], $0x1000, $0x38;
	[tilespmem:$0x17600] =	vst v63  }
0x24: {  	_ =	swait.ge [sflag:s25], $0x1000  }
0x25: {  	[sflag:s25] =	ssyncset.done $0x0  }
0x26: {  	[sflag:s25] =	ssyncadd.s32 $0xFFFFF000  }
0x27: {  	_ =	swait.ge [sflag:s25], $0x1000  }
0x28: {  	[sflag:s25] =	ssyncset.done $0x0  }
0x29: {  	[sflag:s25] =	ssyncadd.s32 $0xFFFFF000  }
0x2a: {  	_ =	swait.ge [sflag:s25], $0x1000  }
0x2b: {  	[sflag:s25] =	ssyncset.done $0x0  }
0x2c: {  	s10 =	simm.s32 $0x11600;
	[sflag:s25] =	ssyncadd.s32 $0xFFFFF000  }
0x2d: {  	[hbm4b:s14+s2] =	stream.linear.scatter [tilespmem:s10], [sflag:$0x3], $0x2000, $0x38;
	[tilespmem:$0x17600] =	vst v63  }
0x2e: {  	_ =	swait.ge [sflag:s18], $0x2000  }
0x2f: {  	[sflag:s18] =	ssyncset.done $0x0  }
0x30: {  	s30 =	simm.s32 $0x13600;
	[sflag:s18] =	ssyncadd.s32 $0xFFFFE000  }
0x31: {  	[hbm4b:s15+s2] =	stream.linear.scatter [tilespmem:s30], [sflag:$0x3], $0x2000, $0x38;
	[tilespmem:$0x17600] =	vst v63  }
0x32: {  	s29 =	sadd.s32 $0x1, s29;
	_ =	swait.ge [sflag:s18], $0x2000  }
0x33: {  	p0 =	sne.s32 s29, s17;
	[sflag:s18] =	ssyncset.done $0x0  }
.Ltmp1:
0x34: {  	s31 =	simm.s32 $0x15600;
	[sflag:s18] =	ssyncadd.s32 $0xFFFFE000;
	(pc) =	sbr.rel @!p0 .LBB2_12-.Ltmp1, $4  }
0x35: {  	[hbm4b:s16+s2] =	stream.linear.scatter [tilespmem:s31], [sflag:$0x3], $0x2000, $0x38;
	[tilespmem:$0x17600] =	vst v63  }
0x36: {  	_ =	swait.ge [sflag:s18], $0x2000  }
0x37: {  	[sflag:s18] =	ssyncset.done $0x0  }
0x38: {  	[sflag:s18] =	ssyncadd.s32 $0xFFFFE000  }
.LBB2_1:
0x39: {  	s0 =	rddreg [dreg:$0x3]  }
0x3a: {  	[tilespmem:s2], [sflag:$0x3] =	stream.linear.gather [hbm4b:s0+s2], $0x2000, $0x38;
	[tilespmem:$0x17600] =	vst v63  }
0x3b: {  	_ =	swait.ge [sflag:s18], $0x2000  }
0x3c: {  	[sflag:s18] =	ssyncset.done $0x0  }
0x3d: {  	s8 =	rddreg [dreg:$0x4];
	[sflag:s18] =	ssyncadd.s32 $0xFFFFE000  }
0x3e: {  	[tilespmem:s19], [sflag:$0x3] =	stream.linear.gather [hbm4b:s8+s2], $0x2000, $0x38;
	[tilespmem:$0x17600] =	vst v63  }
0x3f: {  	_ =	swait.ge [sflag:s18], $0x2000  }
0x40: {  	[sflag:s18] =	ssyncset.done $0x0  }
0x41: {  	s9 =	rddreg [dreg:$0x5];
	[sflag:s18] =	ssyncadd.s32 $0xFFFFE000  }
0x42: {  	[tilespmem:s20], [sflag:$0x3] =	stream.linear.gather [hbm4b:s9+s2], $0x2000, $0x38;
	[tilespmem:$0x17600] =	vst v63  }
0x43: {  	_ =	swait.ge [sflag:s18], $0x2000  }
0x44: {  	[sflag:s18] =	ssyncset.done $0x0  }
0x45: {  	s10 =	rddreg [dreg:$0x6];
	[sflag:s18] =	ssyncadd.s32 $0xFFFFE000  }
0x46: {  	[tilespmem:s21], [sflag:$0x3] =	stream.linear.gather [hbm4b:s10+s2], $0x100, $0x38;
	[tilespmem:$0x17600] =	vst v63  }
0x47: {  	_ =	swait.ge [sflag:s18], $0x100  }
0x48: {  	[sflag:s18] =	ssyncset.done $0x0  }
0x49: {  	s30 =	rddreg [dreg:$0x7];
	[sflag:s18] =	ssyncadd.s32 $0xFFFFFF00  }
0x4a: {  	[tilespmem:s22], [sflag:$0x3] =	stream.linear.gather [hbm4b:s30+s2], $0x100, $0x38;
	[tilespmem:$0x17600] =	vst v63  }
0x4b: {  	_ =	swait.ge [sflag:s18], $0x100  }
0x4c: {  	[sflag:s18] =	ssyncset.done $0x0  }
0x4d: {  	s31 =	rddreg [dreg:$0x8];
	[sflag:s18] =	ssyncadd.s32 $0xFFFFFF00  }
0x4e: {  	[tilespmem:s23], [sflag:$0x3] =	stream.linear.gather [hbm4b:s31+s2], $0x100, $0x38;
	[tilespmem:$0x17600] =	vst v63  }
0x4f: {  	_ =	swait.ge [sflag:s18], $0x100  }
0x50: {  	[sflag:s18] =	ssyncset.done $0x0  }
0x51: {  	s3 =	simm.s32 $0x0;
	[sflag:s18] =	ssyncadd.s32 $0xFFFFFF00  }
0x52: {  	v4 =	vld [tilespmem:s3+$0x0]  }
0x53: {  	v5 =	vld [tilespmem:s3+$0x2000]  }
0x54: {  	v8 =	vld [tilespmem:s3+$0x4000];
	_ =	sdelay $0x3  }
0x55: {  	s0 =	simm.s32 $0x10;
	v7 =	vmul.f32 v4, v4;
	v9 =	vmul.f32 v5, v5;
	v10 =	vshrl.u32 v4, $0x10  }
0x56: {  	v6 =	vld [tilespmem:s0+$0x0];
	v11 =	vshrl.u32 v5, $0x10;
	v12 =	vmul.f32 v8, v8;
	v13 =	vshrl.u32 v8, $0x10  }
0x57: {  	v10 =	vand.u32 $0x1, v10;
	v11 =	vand.u32 $0x1, v11;
	v9 =	vadd.f32 v9, v7;
	v7 =	vld [tilespmem:s0+$0x2000]  }
0x58: {  	v10 =	vadd.s32 v10, v4;
	v5 =	vadd.s32 v11, v5;
	v11 =	vand.u32 $0x1, v13  }
0x59: {  	v4 =	vld [tilespmem:s0+$0x4000];
	v10 =	vadd.s32 $0x7FFF, v10;
	v8 =	vadd.s32 v11, v8  }
0x5a: {  	v5 =	vadd.s32 $0x7FFF, v5;
	v9 =	vadd.f32 v12, v9;
	v10 =	vand.u32 $0xFFFF0000, v10  }
0x5b: {  	v11 =	vshrl.u32 v6, $0x10;
	v8 =	vadd.s32 $0x7FFF, v8;
	v13 =	vand.u32 $0xFFFF0000, v5;
	[tilespmem:s3+$0x8000] =	vst v10  }
0x5c: {  	s5 =	simm.s32 $0x20;
	[tilespmem:s3+$0x6000] =	vst v9;
	v9 =	vmul.f32 v6, v6;
	v10 =	vshrl.u32 v7, $0x10;
	v12 =	vmul.f32 v7, v7  }
0x5d: {  	s6 =	simm.s32 $0xC0;
	v11 =	vand.u32 $0x1, v11;
	v8 =	vand.u32 $0xFFFF0000, v8;
	v5 =	vld [tilespmem:s5+$0x0];
	[tilespmem:s3+$0xA000] =	vst v13;
	v10 =	vand.u32 $0x1, v10  }
.LBB2_2:
0x5e: {  	p0 =	sne.s32 s6, $0x7FC0;
	v13 =	vld [tilespmem:s5+$0x2000];
	v9 =	vadd.f32 v12, v9;
	v12 =	vmul.f32 v4, v4;
	v14 =	vshrl.u32 v4, $0x10;
	[tilespmem:s3+$0xC000] =	vst v8;
	s3 =	smov.u32 s0;
	s0 =	smov.u32 s5  }
0x5f: {  	v6 =	vadd.s32 v11, v6;
	v7 =	vadd.s32 v10, v7;
	v8 =	vand.u32 $0x1, v14  }
.Ltmp2:
0x60: {  	v15 =	vadd.s32 $0x7FFF, v6;
	v9 =	vadd.f32 v12, v9;
	v8 =	vadd.s32 v8, v4;
	v4 =	vld [tilespmem:s0+$0x4000];
	(pc) =	sbr.rel @p0 .LBB2_2-.Ltmp2, $4  }
0x61: {  	v10 =	vand.u32 $0xFFFF0000, v15;
	v12 =	vadd.s32 $0x7FFF, v7;
	v16 =	vadd.s32 $0x7FFF, v8  }
0x62: {  	v14 =	vand.u32 $0xFFFF0000, v12;
	v11 =	vshrl.u32 v5, $0x10;
	[tilespmem:s3+$0x6000] =	vst v9;
	v8 =	vand.u32 $0xFFFF0000, v16;
	v6 =	vmovc v5  }
0x63: {  	s5 =	sshra.s32 s6, $0x2;
	v9 =	vmul.f32 v5, v6;
	v12 =	vmul.f32 v13, v13;
	v15 =	vshrl.u32 v13, $0x10;
	[tilespmem:s3+$0x8000] =	vst v10;
	v7 =	vmovc v13  }
0x64: {  	s6 =	sadd.s32 $0x40, s6;
	v11 =	vand.u32 $0x1, v11;
	v5 =	vld [tilespmem:s5+$0x0];
	v10 =	vand.u32 $0x1, v15;
	[tilespmem:s3+$0xA000] =	vst v14  }
0x65: {  	v13 =	vld [tilespmem:s5+$0x2000];
	v9 =	vadd.f32 v12, v9;
	[tilespmem:s3+$0xC000] =	vst v8;
	v51 =	vmul.f32 v4, v4  }
0x66: {  	v52 =	vshrl.u32 v4, $0x10;
	v6 =	vadd.s32 v11, v6;
	v7 =	vadd.s32 v10, v7;
	v53 =	vld [tilespmem:s5+$0x4000]  }
0x67: {  	v54 =	vand.u32 $0x1, v52;
	v6 =	vadd.s32 $0x7FFF, v6;
	v7 =	vadd.s32 $0x7FFF, v7  }
0x68: {  	v8 =	vadd.f32 v51, v9;
	v4 =	vadd.s32 v54, v4;
	v6 =	vand.u32 $0xFFFF0000, v6  }
0x69: {  	v7 =	vand.u32 $0xFFFF0000, v7;
	v4 =	vadd.s32 $0x7FFF, v4;
	v55 =	vmul.f32 v5, v5  }
0x6a: {  	v57 =	vshrl.u32 v5, $0x10;
	v4 =	vand.u32 $0xFFFF0000, v4;
	v56 =	vmul.f32 v13, v13  }
0x6b: {  	[tilespmem:s0+$0x8000] =	vst v6;
	v58 =	vshrl.u32 v13, $0x10;
	v60 =	vand.u32 $0x1, v57;
	v59 =	vmul.f32 v53, v53  }
0x6c: {  	[tilespmem:s0+$0x6000] =	vst v8;
	v8 =	vand.u32 $0x1, v58;
	v61 =	vshrl.u32 v53, $0x10;
	v5 =	vadd.s32 v60, v5  }
0x6d: {  	[tilespmem:s0+$0xC000] =	vst v4;
	v9 =	vadd.f32 v56, v55;
	v4 =	vadd.s32 v8, v13;
	v5 =	vadd.s32 $0x7FFF, v5  }
.Ltmp3:
0x6e: {  	[tilespmem:s0+$0xA000] =	vst v7;
	v7 =	vand.u32 $0x1, v61;
	v5 =	vand.u32 $0xFFFF0000, v5;
	v4 =	vadd.s32 $0x7FFF, v4;
	(pc) =	sbr.rel .LBB2_4-.Ltmp3, $4  }
0x6f: {  	v7 =	vadd.s32 v7, v53;
	v62 =	vadd.f32 v59, v9;
	v4 =	vand.u32 $0xFFFF0000, v4;
	[tilespmem:s5+$0x8000] =	vst v5  }
0x70: {  	v63 =	vadd.s32 $0x7FFF, v7;
	[tilespmem:s5+$0xA000] =	vst v4  }
0x71: {  	v5 =	vand.u32 $0xFFFF0000, v63;
	[tilespmem:s5+$0x6000] =	vst v62  }
0x72: {  	s0 =	simm.s32 $0x0;
	[tilespmem:s5+$0xC000] =	vst v5  }
.LBB2_7:
0x73: {  	_ =	swait.ge [sflag:s25], $0x1000  }
0x74: {  	[sflag:s25] =	ssyncset.done $0x0  }
0x75: {  	s5 =	sadd.s32 $0xE600, s5;
	[sflag:s25] =	ssyncadd.s32 $0xFFFFF000  }
0x76: {  	[tilespmem:s5], [sflag:$0x1] =	stream.indirect.gather [hbm4b:s4+s26], $0x80, s3, s26, $0xb8;
	[tilespmem:$0x17600] =	vst v63  }
.LBB2_9:
0x77: {  	s3 =	smulhi.u32 $0xAAAAAAAB, s0;
	_ =	sdelay $0x1  }
0x78: {  	s3 =	sshrl.u32 s3, $0x1  }
0x79: {  	s3 =	smul.u32 $0x3, s3  }
0x7a: {  	s5 =	sadd.s32 s11, s30  }
0x7b: {  	s5 =	sshll.u32 s5, $0xC;
	s3 =	ssub.s32 s0, s3  }
0x7c: {  	_ =	swait.ge [sflag:s28], $0x1000;
	s5 =	sadd.s32 $0xFFFFE000, s5;
	s3 =	sshll.u32 s3, $0xC  }
0x7d: {  	[sflag:s28] =	ssyncset.done $0x0;
	s5 =	sshrl.u32 s5, $0x3;
	s3 =	sand.u32 $0x3FFFF000, s3  }
0x7e: {  	[sflag:s28] =	ssyncadd.s32 $0xFFFFF000;
	s5 =	sadd.s32 s1, s5;
	s3 =	sadd.s32 $0xE600, s3  }
0x7f: {  	[hbm4b:s5+s2] =	stream.linear.scatter [tilespmem:s3], [sflag:$0x2], $0x1000, $0x38;
	[tilespmem:$0x17600] =	vst v63  }
.LBB2_10:
0x80: {  	p0 =	sne.s32 s0, $0x100  }
.Ltmp4:
0x81: {  	_ = 	snop;
	(pc) =	sbr.rel @!p0 .LBB2_11-.Ltmp4, $1  }
0x82: {  	_ =	sdelay $0x3  }
.LBB2_4:
0x83: {  	v4 =	vmov s0;
	_ =	sdelay $0x4  }
0x84: {  	v6 =	vld.idx.msk [tilespmem:v4+s21+$0x0], $0xffff  }
0x85: {  	v5 =	vld.idx.msk [tilespmem:v4+s22+$0x0], $0xffff;
	_ =	sdelay $0x1  }
0x86: {  	v4 =	vld.idx.msk [tilespmem:v4+s23+$0x0], $0xffff;
	_ =	sdelay $0x2  }
0x87: {  	v7 =	vmul.f32 v6, v6;
	v8 =	vmul.f32 v5, v5;
	_ =	sdelay $0x1  }
0x88: {  	v7 =	vadd.f32 v8, v7;
	v8 =	vmul.f32 v4, v4  }
0x89: {  	v11 =	vimm.s32 $0x0;
	v9 =	vshrl.u32 v5, $0x10  }
0x8a: {  	v10 =	vshrl.u32 v4, $0x10;
	v7 =	vadd.f32 v8, v7;
	v8 =	vshrl.u32 v6, $0x10  }
0x8b: {  	v9 =	vand.u32 $0x1, v9;
	v10 =	vand.u32 $0x1, v10;
	v8 =	vand.u32 $0x1, v8  }
0x8c: {  	s30 =	smov.u32 s0;
	v9 =	vadd.s32 v9, v5;
	v10 =	vadd.s32 v10, v4;
	v8 =	vadd.s32 v8, v6  }
0x8d: {  	s31 =	simm.s32 $0x70;
	s0 =	simm.s32 $0x8040;
	s3 =	simm.s32 $0xA040;
	v9 =	vadd.s32 $0x7FFF, v9;
	v10 =	vadd.s32 $0x7FFF, v10;
	v8 =	vadd.s32 $0x7FFF, v8  }
0x8e: {  	s5 =	simm.s32 $0xC040;
	s6 =	simm.s32 $0x6040;
	s7 =	simm.s32 $0x0;
	v9 =	vand.u32 $0xFFFF0000, v9;
	v10 =	vand.u32 $0xFFFF0000, v10;
	v8 =	vand.u32 $0xFFFF0000, v8  }
.LBB2_5:
0x8f: {  	v12 =	vld [tilespmem:s0+$0xFFFFFFC0]  }
0x90: {  	v13 =	vld [tilespmem:s3+$0xFFFFFFC0]  }
0x91: {  	v14 =	vld [tilespmem:s5+$0xFFFFFFC0]  }
0x92: {  	v15 =	vld [tilespmem:s6+$0xFFFFFFC0]  }
0x93: {  	v16 =	vld [tilespmem:s0+$0xFFFFFFD0]  }
0x94: {  	v17 =	vld [tilespmem:s3+$0xFFFFFFD0]  }
0x95: {  	v18 =	vld [tilespmem:s5+$0xFFFFFFD0]  }
0x96: {  	v19 =	vld [tilespmem:s6+$0xFFFFFFD0]  }
0x97: {  	v20 =	vld [tilespmem:s0+$0xFFFFFFE0]  }
0x98: {  	v21 =	vld [tilespmem:s3+$0xFFFFFFE0]  }
0x99: {  	v22 =	vld [tilespmem:s5+$0xFFFFFFE0]  }
0x9a: {  	v23 =	vld [tilespmem:s6+$0xFFFFFFE0]  }
0x9b: {  	v24 =	vld [tilespmem:s0+$0xFFFFFFF0]  }
0x9c: {  	v25 =	vld [tilespmem:s3+$0xFFFFFFF0]  }
0x9d: {  	v32 =	vld [tilespmem:s6+$0xFFFFFFF0]  }
0x9e: {  	v34 =	vld [tilespmem:s0+$0x0]  }
0x9f: {  	v26 =	vld [tilespmem:s0+$0x10]  }
0xa0: {  	v45 =	vld [tilespmem:s6+$0x0]  }
0xa1: {  	v46 =	vld [tilespmem:s6+$0x10];
	v12 =	vmul.f32 v8, v12;
	v13 =	vmul.f32 v9, v13  }
0xa2: {  	v59 =	vld [tilespmem:s6+$0x20];
	v16 =	vmul.f32 v8, v16;
	v17 =	vmul.f32 v9, v17  }
0xa3: {  	v62 =	vld [tilespmem:s6+$0x30];
	v29 =	vmul.f32 v10, v14;
	v31 =	vmul.f32 v10, v18  }
0xa4: {  	v37 =	vld [tilespmem:s3+$0x0];
	v33 =	vadd.f32 v15, v7;
	v35 =	vmul.f32 v8, v20;
	v36 =	vmul.f32 v9, v21  }
0xa5: {  	v30 =	vld [tilespmem:s5+$0xFFFFFFF0];
	v19 =	vadd.f32 v19, v7;
	v38 =	vmul.f32 v10, v22;
	v40 =	vmul.f32 v8, v24  }
0xa6: {  	v39 =	vld [tilespmem:s3+$0x10];
	v41 =	vmul.f32 v9, v25;
	v44 =	vadd.f32 v23, v7;
	v18 =	vadd.f32 v32, v7  }
0xa7: {  	v42 =	vld [tilespmem:s5+$0x0];
	v15 =	vmul.f32 v8, v34;
	v56 =	vadd.f32 v45, v7;
	v58 =	vadd.f32 v46, v7  }
0xa8: {  	v47 =	vmul.f32 v8, v26;
	v26 =	vadd.f32 v59, v7;
	v28 =	vadd.f32 v62, v7  }
0xa9: {  	v52 =	vld [tilespmem:s3+$0x30];
	v21 =	vmul.f32 v9, v37;
	v12 =	vadd.f32 v13, v12;
	v16 =	vadd.f32 v17, v16  }
0xaa: {  	v51 =	vld [tilespmem:s0+$0x30];
	v14 =	vmul.f32 v10, v30;
	v17 =	vadd.f32 v36, v35;
	v13 =	vadd.f32 v41, v40  }
0xab: {  	v22 =	vmul.f32 v9, v39;
	v15 =	vadd.f32 v21, v15;
	v12 =	vadd.f32 v29, v12  }
0xac: {  	v43 =	vld [tilespmem:s5+$0x10];
	v49 =	vmul.f32 v10, v42;
	v16 =	vadd.f32 v31, v16;
	v17 =	vadd.f32 v38, v17  }
0xad: {  	v48 =	vld [tilespmem:s0+$0x20];
	v13 =	vadd.f32 v14, v13;
	v14 =	vadd.f32 v22, v47  }
0xae: {  	v50 =	vld [tilespmem:s3+$0x20];
	v20 =	vmul.f32 v9, v52;
	v15 =	vadd.f32 v49, v15;
	v12 =	vadd.f32 v12, v12  }
0xaf: {  	v57 =	vld [tilespmem:s5+$0x30];
	v22 =	vmul.f32 v8, v51;
	v16 =	vadd.f32 v16, v16;
	v17 =	vadd.f32 v17, v17  }
0xb0: {  	v55 =	vld [tilespmem:s5+$0x20];
	v13 =	vadd.f32 v13, v13;
	v15 =	vadd.f32 v15, v15  }
0xb1: {  	v24 =	vadd.f32 v20, v22;
	v16 =	vsub.f32 v19, v16;
	v19 =	vmul.f32 v10, v43  }
0xb2: {  	v60 =	vmul.f32 v8, v48;
	v12 =	vsub.f32 v33, v12;
	v17 =	vsub.f32 v44, v17  }
0xb3: {  	v61 =	vmul.f32 v9, v50;
	v53 =	vsub.f32 v18, v13;
	v54 =	vadd.f32 v19, v14  }
0xb4: {  	v15 =	vsub.f32 v56, v15;
	v18 =	vmul.f32 v10, v57;
	vm2 =	vlt.f32 v12, $3.999999910e-02  }
0xb5: {  	v19 =	vadd.f32 v61, v60;
	v14 =	vmul.f32 v10, v55;
	v13 =	vadd.f32 v54, v54  }
0xb6: {  	vm1 =	vlt.f32 v16, $3.999999910e-02;
	vm0 =	vlt.f32 v17, $3.999999910e-02;
	vm4 =	vlt.f32 v53, $3.999999910e-02  }
0xb7: {  	vm5 =	vlt.f32 v15, $3.999999910e-02;
	v25 =	vadd.f32 v14, v19;
	v13 =	vsub.f32 v58, v13  }
0xb8: {  	v12 =	vadd.f32 v18, v24;
	v63 =	vsel vm2, $0x1, v2;
	v27 =	vmpcnt.ones.xlane vm2  }
0xb9: {  	v29 =	vmpcnt.ones.xlane vm1;
	vm3 =	vlt.f32 v13, $3.999999910e-02;
	v13 =	vadd.f32 v25, v25  }
0xba: {  	v30 =	vmpcnt.ones.xlane vm0;
	(xrf0) =	vadd.scan.msk.s32 $0xffff, v63;
	v12 =	vadd.f32 v12, v12;
	v15 =	vadd.s32 v11, v27  }
0xbb: {  	v32 =	vmpcnt.ones.xlane vm4;
	v31 =	vadd.s32 v15, v29;
	v13 =	vsub.f32 v26, v13  }
0xbc: {  	v34 =	vmpcnt.ones.xlane vm5;
	v12 =	vsub.f32 v28, v12;
	v33 =	vadd.s32 v31, v30  }
0xbd: {  	v35 =	vadd.s32 v33, v32;
	v36 =	vmpcnt.ones.xlane vm3;
	vm7 =	vlt.f32 v13, $3.999999910e-02  }
0xbe: {  	vm6 =	vlt.f32 v12, $3.999999910e-02;
	v37 =	vadd.s32 v35, v34;
	v38 =	vmpcnt.ones.xlane vm7  }
0xbf: {  	v40 =	vmpcnt.ones.xlane vm6;
	v17 =	vadd.s32 v37, v36  }
0xc0: {  	v39, _, _ =	vpop (xrf0);
	v18 =	vadd.s32 v17, v38  }
0xc1: {  	v19 =	vadd.s32 v39, v11;
	v11 =	vadd.s32 v18, v40  }
0xc2: {  	(v2sf) =	vpush v11, $0x0;
	_ =	sdelay $0x1  }
0xc3: {  	v41 =	vsel vm1, $0x1, v2  }
0xc4: {  	v42 =	vsel vm0, $0x1, v2;
	(xrf0) =	vadd.scan.msk.s32 $0xffff, v41  }
0xc5: {  	v43 =	vsel vm4, $0x1, v2;
	(xrf0) =	vadd.scan.msk.s32 $0xffff, v42  }
0xc6: {  	v44 =	vsel vm5, $0x1, v2;
	(xrf0) =	vadd.scan.msk.s32 $0xffff, v43  }
0xc7: {  	v45 =	vsel vm3, $0x1, v2;
	(xrf0) =	vadd.scan.msk.s32 $0xffff, v44  }
0xc8: {  	v46 =	vsel vm7, $0x1, v2;
	(xrf0) =	vadd.scan.msk.s32 $0xffff, v45  }
0xc9: {  	v47 =	vsel vm6, $0x1, v2;
	(xrf0) =	vadd.scan.msk.s32 $0xffff, v46  }
0xca: {  	v48, _, _ =	vpop (xrf0);
	(xrf0) =	vadd.scan.msk.s32 $0xffff, v47  }
0xcb: {  	v19 =	vadd.s32 $0xFFFFFFFF, v19;
	v49, _, _ =	vpop (xrf0);
	v15 =	vadd.s32 v15, v48  }
0xcc: {  	v50, _, _ =	vpop (xrf0);
	v15 =	vadd.s32 $0xFFFFFFFF, v15;
	v14 =	vadd.s32 v31, v49  }
0xcd: {  	v51, _, _ =	vpop (xrf0);
	v14 =	vadd.s32 $0xFFFFFFFF, v14;
	v16 =	vadd.s32 v33, v50  }
0xce: {  	s8 =	sadd.s32 $0xFFFFFF90, s31;
	v52, _, _ =	vpop (xrf0);
	v16 =	vadd.s32 $0xFFFFFFFF, v16;
	v13 =	vadd.s32 v35, v51  }
0xcf: {  	s9 =	sadd.s32 $0xFFFFFFA0, s31;
	v54 =	vor.u32 s8, v0;
	v53, _, _ =	vpop (xrf0);
	v12 =	vadd.s32 v37, v52;
	v13 =	vadd.s32 $0xFFFFFFFF, v13  }
0xd0: {  	s10 =	sadd.s32 $0xFFFFFFB0, s31;
	p0 =	sgt.u32 s7, $0x1F7;
	v56 =	vor.u32 s9, v0;
	[tilespmem:v19+s24+$0x0] =	vst.idx.msk vm2, v54;
	v55, _, _ =	vpop (xrf0);
	v12 =	vadd.s32 $0xFFFFFFFF, v12;
	v17 =	vadd.s32 v17, v53;
	s8 =	spop (v2sf)  }
0xd1: {  	s9 =	sadd.s32 $0xFFFFFFC0, s31;
	v57 =	vor.u32 s10, v0;
	[tilespmem:v15+s24+$0x0] =	vst.idx.msk vm1, v56;
	v17 =	vadd.s32 $0xFFFFFFFF, v17;
	v18 =	vadd.s32 v18, v55;
	p1 =	slt.s32 @!p0 s8, $0x20  }
0xd2: {  	s10 =	sadd.s32 $0xFFFFFFD0, s31;
	v58 =	vor.u32 s9, v0;
	[tilespmem:v14+s24+$0x0] =	vst.idx.msk vm0, v57;
	v59 =	vadd.s32 $0xFFFFFFFF, v18;
	p0 =	por p0, !p1  }
.Ltmp5:
0xd3: {  	v60 =	vor.u32 s10, v0;
	s9 =	sadd.s32 $0xFFFFFFE0, s31;
	[tilespmem:v16+s24+$0x0] =	vst.idx.msk vm4, v58;
	(pc) =	sbr.rel @!p0 .LBB2_5-.Ltmp5, $4  }
0xd4: {  	s10 =	sadd.s32 $0xFFFFFFF0, s31;
	v61 =	vor.u32 s9, v0;
	[tilespmem:v13+s24+$0x0] =	vst.idx.msk vm5, v60  }
0xd5: {  	v62 =	vor.u32 s10, v0;
	[tilespmem:v12+s24+$0x0] =	vst.idx.msk vm3, v61  }
0xd6: {  	s7 =	sadd.s32 $0x8, s7;
	s0 =	sadd.s32 $0x80, s0;
	s3 =	sadd.s32 $0x80, s3;
	v63 =	vor.u32 s31, v0;
	[tilespmem:v17+s24+$0x0] =	vst.idx.msk vm7, v62  }
0xd7: {  	s5 =	sadd.s32 $0x80, s5;
	s6 =	sadd.s32 $0x80, s6;
	s31 =	sadd.s32 $0x80, s31;
	[tilespmem:v59+s24+$0x0] =	vst.idx.msk vm6, v63  }
0xd8: {  	v7 =	vld [tilespmem:$0xE300]  }
0xd9: {  	p0 =	slt.s32 s8, $0x20;
	v8 =	vld [tilespmem:$0xE310]  }
0xda: {  	s8 =	simm.s32 @!p0 $0x20  }
0xdb: {  	v9 =	vmov s8  }
0xdc: {  	vm0 =	vgt.s32 v9, v0  }
0xdd: {  	vm15 =	vgt.s32 v9, v3;
	v7 =	vnsel vm0, $0x0, v7  }
0xde: {  	v8 =	vnsel vm15, $0x0, v8;
	_ =	sdelay $0x3  }
0xdf: {  	v58 =	vld.idx.msk [tilespmem:v7+s2+$0x0], $0xffff  }
0xe0: {  	v10 =	vld.idx.msk [tilespmem:v8+s2+$0x0], $0xffff  }
0xe1: {  	v11 =	vld.idx.msk [tilespmem:v7+s19+$0x0], $0xffff  }
0xe2: {  	v12 =	vld.idx.msk [tilespmem:v8+s19+$0x0], $0xffff  }
0xe3: {  	v13 =	vld.idx.msk [tilespmem:v7+s20+$0x0], $0xffff  }
0xe4: {  	v14 =	vld.idx.msk [tilespmem:v8+s20+$0x0], $0xffff;
	v9 =	vsub.f32 v58, v6  }
0xe5: {  	v59 =	vsub.f32 v10, v6  }
0xe6: {  	s0 =	smulhi.u32 $0xAAAAAAAB, s30;
	v60 =	vsub.f32 v11, v5;
	v9 =	vmul.f32 $5.000000000e+00, v9  }
0xe7: {  	s3 =	sshll.u32 s30, $0x5;
	v5 =	vsub.f32 v12, v5;
	v6 =	vmul.f32 $5.000000000e+00, v59  }
0xe8: {  	s0 =	sshrl.u32 s0, $0x1;
	v62 =	vsub.f32 v13, v4;
	v61 =	vmul.f32 $5.000000000e+00, v60;
	[tilespmem:s3+$0x11600] =	vst v9  }
0xe9: {  	s0 =	smul.u32 $0x3, s0;
	v4 =	vsub.f32 v14, v4;
	v5 =	vmul.f32 $5.000000000e+00, v5;
	[tilespmem:s3+$0x11610] =	vst v6  }
0xea: {  	p0 =	slt.u32 s30, $0x3;
	v63 =	vmul.f32 $5.000000000e+00, v62;
	[tilespmem:s3+$0x13600] =	vst v61  }
.Ltmp6:
0xeb: {  	s0 =	ssub.s32 s30, s0;
	v4 =	vmul.f32 $5.000000000e+00, v4;
	[tilespmem:s3+$0x13610] =	vst v5;
	(pc) =	sbr.rel @!p0 .LBB2_7-.Ltmp6, $4  }
0xec: {  	s5 =	sshll.u32 s0, $0x7;
	[tilespmem:s3+$0x15600] =	vst v63  }
0xed: {  	[tilespmem:s3+$0x15610] =	vst v4;
	v4 =	vadd.s32 v1, v7;
	s3 =	sor.u32 $0xE400, s5  }
0xee: {  	s6 =	sshll.u32 s0, $0xC;
	s5 =	sor.u32 $0xE410, s5;
	[tilespmem:s3+$0x0] =	vst v4;
	v4 =	vadd.s32 v1, v8  }
0xef: {  	s0 =	sadd.s32 $0x1, s30;
	[tilespmem:s5+$0x0] =	vst v4;
	s5 =	sand.u32 $0x3FFFF000, s6  }
0xf0: {  	p0 =	sne.s32 s30, $0x2  }
.Ltmp7:
0xf1: {  	_ = 	snop;
	(pc) =	sbr.rel @p0 .LBB2_10-.Ltmp7, $4  }
.Ltmp8:
0xf2: {  	_ = 	snop;
	(pc) =	sbr.rel @!p0 .LBB2_9-.Ltmp8, $4  }
0xf3: {  	_ = 	snop  }
0xf4: {  	s5 =	sadd.s32 $0xE600, s5  }
0xf5: {  	[tilespmem:s5], [sflag:$0x1] =	stream.indirect.gather [hbm4b:s4+s26], $0x80, s3, s26, $0xb8;
	[tilespmem:$0x17600] =	vst v63  }
0xf6: {  	_ = 	snop  }
.LBB2_12:
0xf7: {  	_ =	sfence.sel $0x180000  }
0xf8: {  	[bflag:$0x0] =	sbarrier.arrive $0xFFFF  }
0xf9: {  	_ =	strace $0x90000047  }
0xfa: {  	s0 =	stileid.u32;
	[bflag:$0x2] =	sbarrier.arrive $0xFFFF  }
0xfb: {  	p0 =	sne.s32 s0, $0x0;
	s0 =	rddreg [dreg:$0x2]  }
0xfc: {  	s0 =	sadd.s32 @!p0 $0x100000, s0  }
0xfd: {  	[sflag:s0] =	ssyncadd.tile.s32 @!p0 $0x1;
	_ =	shalt  }
.Lfunc_end2:
_tile_overlayer_lowered:
.L_overlay_start_2:
0xfe: {  	(tag) =	ssettag $0x2  }
0xff: {  	s0 =	rddreg [dreg:$0x0];
	s2 =	stileid.u32  }
0x100: {  	s1 =	rddreg [dreg:$0x1];
	p0 =	sne.s32 s2, $0x0  }
0x101: {  	s3 =	rddreg [dreg:$0x2];
	[bflag:$0x3] =	sbarrier.arrive $0xFFFF;
	s2 =	simm.s32 @!p0 $0x1C03  }
0x102: {  	[timem:s3], [sflag:s2] =	dma.local @!p0 [hbm:s0], s1  }
0x103: {  	s0 =	simm.s32 @!p0 $0x3  }
0x104: {  	_ =	swait.ge @!p0 [sflag:s0], s1  }
0x105: {  	s1 =	ssub.s32 @!p0 $0x0, s1;
	[sflag:s0] =	ssyncset.done @!p0 $0x0  }
0x106: {  	[sflag:s0] =	ssyncadd.s32 @!p0 s1  }
0x107: {  	[bflag:$0x3] =	sbarrier.arrive $0xFFFF  }
0x108: {  	_ =	shalt  }

// kernel: sparse-core-data-format-call.cloned.1.call-start
scs
called_computation_lowered:
.L_overlay_start_0:
0x0: {  	s2 =	sld [smem:$0x3FD9]  }
0x1: {  	s3 =	sld [smem:$0x3FFE];
	_ =	sdelay $0x1  }
0x2: {  	s1 =	srdreg.scid  }
0x3: {  	s0 =	sand.u32 $0x1, s1  }
0x4: {  	s18 =	sshll.u32 s0, $0xA;
	s2 =	sadd.s32 s3, s2  }
0x5: {  	s2 =	sadd.s32 s2, s18  }
0x6: {  	[smem:$0x3FC5] =	sst s2  }
0x7: {  	_ = 	snop  }
0x8: {  	s2 =	sld [smem:$0x3FD0];
	(tm) =	ssettm $0x1  }
0x9: {  	s19 =	sld [smem:$0x3FFB];
	_ =	sdelay $0x3  }
0xa: {  	_ =	strace s19  }
0xb: {  	s3 =	sld [smem:$0x3FFC];
	_ =	sdelay $0x3  }
0xc: {  	_ =	strace s3  }
0xd: {  	s3 =	sld [smem:$0x3FFD];
	_ =	sdelay $0x3  }
0xe: {  	_ =	strace s3  }
0xf: {  	_ =	strace $0x8FFFFFFF  }
0x10: {  	s20 =	sld [smem:$0x3FDB];
	_ =	sdelay $0x1  }
0x11: {  	s4 =	simm.s32 $_scs_section_size  }
0x12: {  	s5 =	simm.s32 $_size__tile_overlayer_lowered;
	s6 =	simm.s32 $_tile_overlayer_lowered  }
0x13: {  	s23 =	simm.s32 $0x1BFF;
	s22 =	sshll.u32 s6, $0x1;
	s3 =	sadd.s32 s4, s20  }
0x14: {  	s7 =	simm.s32 $0x0;
	s21 =	sshll.u32 s5, $0x1;
	s5 =	sadd.s32 s22, s3  }
0x15: {  	[timem:s7], [sflag:s23] =	dma.local [hbm:s5], s21  }
0x16: {  	_ =	swait.ge [sflag:s23], s21  }
0x17: {  	s4 =	ssub.s32 $0x0, s21;
	[sflag:s23] =	ssyncset.done $0x0  }
0x18: {  	[sflag:s23] =	ssyncadd.s32 s4;
	_ =	sdelay $0x1  }
0x19: {  	s24 =	simm.s32 $0x1B8B  }
0x1a: {  	_ =	swait.ge [sflag:s24], $0x1  }
0x1b: {  	[sflag:s24] =	ssyncset.done $0x0  }
0x1c: {  	s26 =	simm.s32 $0x1B8E;
	s25 =	sld [smem:$0x3FFE];
	[sflag:s24] =	ssyncadd.s32 $0xFFFFFFFF  }
0x1d: {  	s27 =	simm.s32 $execute0_lowered;
	[smem:$0x3FD2] =	sst s26  }
0x1e: {  	s5 =	sshll.u32 s27, $0x1;
	_ =	strace $0x80000049;
	[dreg:$0x1] =	wrdreg $0xFFFFFFFF  }
0x1f: {  	s28 =	simm.s32 $_size_execute0_lowered;
	s3 =	sadd.s32 s3, s5;
	[dreg:$0x0] =	wrdreg $0x0  }
0x20: {  	s5 =	sshll.u32 s28, $0x1;
	[dreg:$0x2] =	wrdreg s3  }
0x21: {  	[dreg:$0x3] =	wrdreg s5  }
0x22: {  	[dreg:$0x4] =	wrdreg $0xC0  }
0x23: {  	_ =	task [dreg:s7], $0x5FFFF  }
0x24: {  	[dreg:$0x1] =	wrdreg $0xFFFFFFFF  }
0x25: {  	[dreg:$0x0] =	wrdreg $0x60  }
0x26: {  	[dreg:$0x2] =	wrdreg s25  }
0x27: {  	[dreg:$0x3] =	wrdreg s2  }
0x28: {  	[dreg:$0x4] =	wrdreg $0x9  }
0x29: {  	_ =	task.clear_ibuf [dreg:s7], $0x5FFFF;
	_ =	strace $0x90000049  }
0x2a: {  	s29 =	simm.s32 $0x9;
	_ =	strace $0x8000004B  }
0x2b: {  	_ =	swait.ge [sflag:s29], $0x1  }
0x2c: {  	[sflag:s29] =	ssyncadd.s32 $0xFFFFFFFF  }
0x2d: {  	_ =	strace $0x9000004B  }
0x2e: {  	_ =	sfence  }
0x2f: {  	s30 =	sld [smem:$0x0];
	_ =	sdelay $0x2  }
0x30: {  	s31 =	sshll.u32 s1, $0xD;
	s1 =	sshrl.u32 s1, $0x2  }
0x31: {  	s3 =	sand.u32 $0x4000, s31;
	s1 =	sadd.s32 s1, s30  }
0x32: {  	s0 =	sor.u32 s3, s0;
	s1 =	sshll.u32 s1, $0x11  }
0x33: {  	s0 =	sor.u32 s1, s0  }
0x34: {  	s0 =	sadd.s32 $0x8F2B, s0  }
0x35: {  	[sflag:s0] =	ssyncadd.remote.s32 $0x1  }
0x36: {  	_ =	sfence.sel $0xFFFF  }
0x37: {  	[dreg:$0x0] =	wrdreg $0xFFFFFFFF;
	(pc) =	sbr.abs _section_cstart, $3  }
0x38: {  	[dreg:$0x1] =	wrdreg $0xFFFFFFFF  }
0x39: {  	_ =	task.clear_ibuf [dreg:s7], $0x2FFFF;
	_ =	strace $0x9FFFFFFF  }
0x3a: {  	(tm) =	ssettm $0x7FFFFFFF  }
0x3b: {  	_ =	shalt  }
tec
execute0_lowered:
.L_overlay_start_1:
0x0: {  	(tag) =	ssettag $0x1  }
0x1: {  	s0 =	stileid.u32;
	s4 =	rddreg [dreg:$0x0]  }
0x2: {  	s1 =	srdreg.scid;
	s3 =	rddreg [dreg:$0x1]  }
0x3: {  	_ =	strace $0x8000004A;
	s7 =	simm.s32 $0x1;
	s31 =	simm.s32 $0x2  }
0x4: {  	s19 =	simm.s32 $0x0;
	s9 =	simm.s32 $0x10000;
	s21 =	simm.s32 $0x0  }
0x5: {  	s20 =	simm.s32 $0x0;
	s2 =	sshll.u32 s0, $0x5;
	s1 =	sshll.u32 s1, $0x9  }
0x6: {  	s22 =	simm.s32 $0x0;
	s10 =	simm.s32 $0x0;
	s1 =	sor.u32 s2, s1  }
0x7: {  	s11 =	simm.s32 $0x0;
	s12 =	simm.s32 $0x0;
	s2 =	sand.u32 $0x380, s1  }
0x8: {  	s13 =	simm.s32 $0x0;
	s14 =	simm.s32 $0x0;
	s5 =	ssub.s32 $0x800, s2  }
0x9: {  	s15 =	simm.s32 $0x0;
	s18 =	simm.s32 $0x0;
	s6 =	sand.u32 $0x380, s5  }
.Ltmp0:
0xa: {  	s4 =	sadd.s32 $0x440C00, s4;
	p0 =	sne.s32 s6, $0x0;
	(pc) =	sbr.rel .LBB1_1-.Ltmp0, $4  }
0xb: {  	s16 =	smov.u32 s2;
	s8 =	sshrl.u32 s5, $0xA;
	s7 =	simm.s32 @!p0 $0x0  }
0xc: {  	s5 =	sand.u32 $0x3, s0;
	s6 =	simm.s32 $0x1;
	s7 =	sadd.s32 s7, s8  }
0xd: {  	s17 =	smov.u32 s5;
	[sflag:s6] =	ssyncpa.u1 $0x0;
	s7 =	sshll.u32 s7, $0x6  }
0xe: {  	p0 =	por $0x0, $0x0;
	[sflag:s31] =	ssyncpa.u1 $0x0;
	s8 =	sor.u32 $0x1, s7  }
.LBB1_4:
0xf: {  	p1 =	sgt.s32 s13, $0x3;
	s28 =	smov.u32 s13;
	s29 =	sshra.s32 s13, $0x1F;
	[tilespmem:s25+$0x2040 ss:$0x81] =	vst.msk $0xffff, v4  }
0x10: {  	s27 =	sshra.s32 s27, $0x2;
	[tilespmem:s25+$0x2850 ss:$0x81] =	vst.msk $0xffff, v3;
	s28 =	simm.s32 @!p1 $0x3;
	s29 =	sand.u32 s29, s13  }
0x11: {  	s30 =	smov.u32 s12;
	s31 =	sshra.s32 s12, $0x1F;
	[tilespmem:s25+$0x3060 ss:$0x81] =	vst.msk $0xffff, v2;
	s28 =	ssub.s32 s28, s29  }
0x12: {  	s1 =	sshra.s32 s11, $0x1F;
	[tilespmem:s25+$0x0 ss:$0x81] =	vst.msk $0xffff, v0;
	s25 =	sshll.u32 s12, $0x3;
	s29 =	sadd.s32 $0xFFFFFFFD, s28  }
0x13: {  	s26 =	sadd.s32 s27, s26;
	s28 =	ssub.s32 $0x4, s28;
	p1 =	sgt.s32 s29, $0x0  }
0x14: {  	s29 =	smov.u32 s10;
	s28 =	simm.s32 @p1 $0x0;
	p1 =	sgt.s32 s10, $0x3  }
0x15: {  	s27 =	sand.u32 s31, s12;
	s29 =	simm.s32 @!p1 $0x3;
	p1 =	sgt.s32 s12, $0x780  }
0x16: {  	s31 =	smov.u32 s11;
	s30 =	simm.s32 @!p1 $0x780;
	p1 =	sgt.s32 s11, $0x1F  }
0x17: {  	s1 =	sand.u32 s1, s11;
	s27 =	ssub.s32 s30, s27;
	s31 =	simm.s32 @!p1 $0x1F  }
0x18: {  	s30 =	sadd.s32 $0xFFFFF880, s27;
	s1 =	ssub.s32 s31, s1;
	s31 =	sshra.s32 s10, $0x1F  }
0x19: {  	s27 =	ssub.s32 $0x800, s27;
	p1 =	sgt.s32 s30, $0x7F;
	s31 =	sand.u32 s31, s10  }
0x1a: {  	v5 =	vld [tilespmem:s24+$0xFFFFFFD0];
	s30 =	sshll.u32 s11, $0xB;
	s29 =	ssub.s32 s29, s31;
	s31 =	sadd.s32 $0xFFFFFFE1, s1  }
0x1b: {  	v58 =	vld [tilespmem:s24+$0xFFFFFFE0];
	s27 =	simm.s32 @p1 $0x0;
	s30 =	sand.u32 $0xC000, s30;
	s1 =	ssub.s32 $0x20, s1  }
0x1c: {  	v59 =	vld [tilespmem:s24+$0xFFFFFFF0];
	p1 =	sgt.s32 s31, $0x0;
	s31 =	sand.u32 $0x78, s12;
	s27 =	smul.u32 s28, s27  }
0x1d: {  	v60 =	vld [tilespmem:s24+$0x0];
	s28 =	sadd.s32 $0xFFFFFFFD, s29;
	s29 =	ssub.s32 $0x83, s29;
	s1 =	simm.s32 @p1 $0x0  }
0x1e: {  	v61 =	vld [tilespmem:s24+$0x10];
	[tilespmem:s26+$0x3870 ss:$0x81] =	vst.msk $0xffff, v1;
	p1 =	sgt.s32 s28, $0x7F;
	s28 =	sand.u32 $0xFC00, s25;
	s25 =	sand.u32 $0x400, s25  }
0x1f: {  	v62 =	vld [tilespmem:s24+$0x20];
	[tilespmem:s26+$0x810 ss:$0x81] =	vst.msk $0xffff, v5;
	s1 =	smul.u32 s1, s27;
	s27 =	sshll.u32 s11, $0x7;
	s25 =	sor.u32 s31, s25  }
0x20: {  	v63 =	vld [tilespmem:s24+$0xFFFFFFC0];
	[tilespmem:s26+$0x1020 ss:$0x81] =	vst.msk $0xffff, v58;
	s31 =	smul.u32 $0x106000, s13;
	s28 =	sadd.s32 s28, s30;
	s27 =	sand.u32 $0x380, s27  }
0x21: {  	[tilespmem:s26+$0x1830 ss:$0x81] =	vst.msk $0xffff, v59;
	s29 =	simm.s32 @p1 $0x0;
	s28 =	sshrl.u32 s28, $0x3;
	s24 =	sor.u32 s27, s25  }
0x22: {  	[tilespmem:s26+$0x2040 ss:$0x81] =	vst.msk $0xffff, v60;
	s1 =	smul.u32 s29, s1;
	s29 =	sshll.u32 s10, $0xD;
	s25 =	sadd.s32 s3, s31  }
0x23: {  	[tilespmem:s26+$0x2850 ss:$0x81] =	vst.msk $0xffff, v61;
	s30 =	sand.u32 $0x7, s12;
	s28 =	sand.u32 $0x1F00, s28;
	s25 =	sadd.s32 s29, s25  }
0x24: {  	[tilespmem:s26+$0x3060 ss:$0x81] =	vst.msk $0xffff, v62;
	s27 =	sshll.u32 s30, $0x12;
	s24 =	sshrl.u32 s24, $0x3;
	s25 =	sadd.s32 s28, s25  }
0x25: {  	[tilespmem:s26+$0x0 ss:$0x81] =	vst.msk $0xffff, v63;
	s31 =	sor.u32 $0x80, s27;
	s1 =	sand.u32 $0x3FFFFFFF, s1;
	s24 =	sadd.s32 s24, s25  }
0x26: {  	[hbm4b:s24+s31] =	stream.strided.scatter [tilespmem:s23], [sflag:$0x2], s1, s9, s31, $0x20;
	[tilespmem:$0x10100] =	vst v63  }
.LBB1_5:
0x27: {  	p1 =	slt.u32 s18, $0x2  }
0x28: {  	s1 =	smov.u32 s22;
	p2 =	sgt.s32 @!p1 s22, $0x3  }
0x29: {  	s24 =	sadd.s32 $0x80, s14;
	s23 =	sshra.s32 @!p1 s22, $0x1F;
	p2 =	por !p2, p1  }
0x2a: {  	s25 =	smov.u32 s16;
	s22 =	sand.u32 @!p1 s23, s22;
	s1 =	simm.s32 @p2 $0x3  }
0x2b: {  	s26 =	smov.u32 s17;
	p0 =	por !p0, !p0;
	s1 =	ssub.s32 @!p1 s1, s22  }
0x2c: {  	p3 =	sgt.s32 @!p1 s21, $0x1F;
	s23 =	sshra.s32 @!p1 s21, $0x1F;
	s22 =	sadd.s32 @!p1 $0xFFFFFFFD, s1  }
0x2d: {  	s1 =	ssub.s32 @!p1 $0x4, s1;
	p2 =	sgt.s32 @!p1 s22, $0x0;
	s22 =	smov.u32 s21  }
0x2e: {  	s21 =	sand.u32 @!p1 s23, s21;
	s23 =	sshra.s32 @!p1 s19, $0x1F;
	p2 =	por !p2, p1  }
0x2f: {  	s23 =	sand.u32 @!p1 s23, s19;
	s1 =	simm.s32 @!p2 $0x0;
	p2 =	por !p3, p1  }
0x30: {  	p3 =	sgt.s32 @!p1 s19, $0x3;
	s22 =	simm.s32 @p2 $0x1F;
	p2 =	sgt.s32 @!p1 s20, $0x780  }
0x31: {  	s21 =	ssub.s32 @!p1 s22, s21;
	s22 =	sshra.s32 @!p1 s20, $0x1F;
	p2 =	por !p2, p1  }
0x32: {  	p3 =	por !p3, p1;
	s22 =	sand.u32 @!p1 s22, s20;
	s20 =	simm.s32 @p2 $0x780  }
0x33: {  	s19 =	simm.s32 @p3 $0x3;
	s20 =	ssub.s32 @!p1 s20, s22;
	s22 =	sadd.s32 @!p1 $0xFFFFFFE1, s21  }
0x34: {  	s19 =	ssub.s32 @!p1 s19, s23;
	p2 =	sgt.s32 @!p1 s22, $0x0;
	s22 =	sadd.s32 @!p1 $0xFFFFF880, s20  }
0x35: {  	s23 =	sadd.s32 @!p1 $0xFFFFFFFD, s19;
	s21 =	ssub.s32 @!p1 $0x20, s21;
	p3 =	sgt.s32 @!p1 s22, $0x7F  }
0x36: {  	s20 =	ssub.s32 @!p1 $0x800, s20;
	p2 =	por !p2, p1;
	p3 =	por !p3, p1  }
0x37: {  	s21 =	simm.s32 @!p2 $0x0;
	p2 =	sgt.s32 s24, $0x82;
	s20 =	simm.s32 @!p3 $0x0  }
0x38: {  	p3 =	sgt.s32 @!p1 s23, $0x7F;
	s1 =	smul.u32 @!p1 s1, s20;
	s20 =	simm.s32 $0x1  }
0x39: {  	s19 =	ssub.s32 @!p1 $0x83, s19;
	p3 =	por !p3, p1;
	s20 =	simm.s32 @!p2 $0x0  }
0x3a: {  	s27 =	simm.s32 @!p1 $0x2;
	s19 =	simm.s32 @!p3 $0x0;
	s23 =	sadd.s32 s20, s15  }
0x3b: {  	s1 =	smul.u32 @!p1 s21, s1;
	s20 =	sadd.s32 $0x400, s16;
	p3 =	sgt.s32 s23, $0x1F  }
0x3c: {  	s22 =	smov.u32 s13;
	s24 =	simm.s32 @p2 $0x0;
	s25 =	smov.u32 @p3 s20  }
0x3d: {  	s1 =	smul.u32 @!p1 s19, s1;
	s19 =	sadd.s32 $0x4, s17;
	p2 =	sgt.s32 s25, $0x7FF  }
0x3e: {  	s13 =	smov.u32 s17;
	s21 =	smov.u32 s11;
	s26 =	smov.u32 @p2 s19  }
0x3f: {  	s11 =	smov.u32 s15;
	s25 =	smov.u32 @p2 s2;
	p2 =	sgt.s32 s26, $0x3  }
0x40: {  	s23 =	simm.s32 @p3 $0x0;
	s26 =	smov.u32 @p2 s5;
	p2 =	sne.s32 s18, s8  }
.Ltmp1:
0x41: {  	s20 =	smov.u32 s12;
	s12 =	smov.u32 s16;
	(pc) =	sbr.rel @!p2 .LBB1_6-.Ltmp1, $4  }
0x42: {  	s15 =	smov.u32 s23;
	s1 =	sand.u32 @!p1 $0x3FFFFFFF, s1;
	s19 =	smov.u32 s10  }
0x43: {  	s10 =	smov.u32 s14;
	s14 =	smov.u32 s24;
	_ =	swait.ge @!p1 [sflag:s27], s1  }
0x44: {  	s1 =	ssub.s32 @!p1 $0x0, s1;
	s16 =	smov.u32 s25;
	[sflag:s27] =	ssyncset.done @!p1 $0x0  }
0x45: {  	s18 =	sadd.s32 $0x1, s18;
	[sflag:s27] =	ssyncadd.s32 @!p1 s1;
	s17 =	smov.u32 s26  }
.LBB1_1:
0x46: {  	p1 =	sge.u32 s18, s7;
	s31 =	sadd.s32 $0xFFFFFFFF, s18  }
0x47: {  	s23 =	sxor.u32 @!p1 $0xFFFFFFFF, s18;
	s24 =	sand.u32 @!p1 $0x78, s14;
	s25 =	sshll.u32 @!p1 s15, $0x8  }
0x48: {  	s26 =	sshll.u32 @!p1 s14, $0x3;
	s27 =	sshll.u32 @!p1 s15, $0x7;
	s23 =	sshll.u32 @!p1 s23, $0xE  }
0x49: {  	s25 =	sand.u32 @!p1 $0x1800, s25;
	s26 =	sand.u32 @!p1 $0x1C00, s26;
	s23 =	sand.u32 @!p1 $0x4000, s23  }
0x4a: {  	s25 =	sadd.s32 @!p1 s25, s26;
	s26 =	sand.u32 @!p1 $0x300, s27;
	s27 =	sand.u32 @!p1 $0x80, s27  }
0x4b: {  	s25 =	sor.u32 @!p1 s26, s25;
	s24 =	sor.u32 @!p1 s24, s27;
	s26 =	sshll.u32 @!p1 s17, $0x15  }
0x4c: {  	s27 =	sshll.u32 @!p1 s16, $0xA;
	s25 =	sshrl.u32 @!p1 s25, $0x3;
	s26 =	sadd.s32 @!p1 s4, s26  }
0x4d: {  	s24 =	sshrl.u32 @!p1 s24, $0x3;
	s26 =	sadd.s32 @!p1 s27, s26;
	s27 =	sand.u32 @!p1 $0x7, s14  }
0x4e: {  	s25 =	sand.u32 @!p1 $0x3E0, s25;
	s24 =	sadd.s32 @!p1 s24, s26;
	s26 =	sshll.u32 @!p1 s27, $0x12  }
0x4f: {  	s24 =	sadd.s32 @!p1 s25, s24;
	s25 =	sor.u32 @!p1 $0x80, s26;
	s26 =	simm.s32 @!p1 $0x2000  }
0x50: {  	[tilespmem:s23], [sflag:$0x1] =	stream.strided.gather @!p1 [hbm4b:s24+s25], $0x4000, s26, s25, $0x38;
	[tilespmem:$0x10100] =	vst v63  }
0x51: {  	p1 =	sge.u32 s31, s7  }
.Ltmp2:
0x52: {  	_ = 	snop;
	(pc) =	sbr.rel @p1 .LBB1_5-.Ltmp2, $1  }
0x53: {  	_ =	sdelay $0x3  }
0x54: {  	s23 =	simm.s32 $0x1  }
0x55: {  	_ =	swait.ge [sflag:s6], $0x4000;
	s23 =	simm.s32 @!p0 $0x0  }
0x56: {  	[sflag:s6] =	ssyncset.done $0x0;
	s24 =	sshll.u32 s23, $0xE  }
0x57: {  	[sflag:s6] =	ssyncadd.s32 $0xFFFFC000;
	s24 =	sor.u32 $0x40, s24  }
0x58: {  	s23 =	smul.u32 $0x10200, s23;
	v0 =	vld [tilespmem:s24+$0x30]  }
0x59: {  	v1 =	vld [tilespmem:s24+$0xFFFFFFD0]  }
0x5a: {  	s23 =	sshrl.u32 s23, $0x2;
	v5 =	vld [tilespmem:s24+$0xFFFFFFE0]  }
0x5b: {  	v6 =	vld [tilespmem:s24+$0xFFFFFFF0];
	s26 =	sor.u32 $0x8000, s23  }
0x5c: {  	s31 =	sand.u32 $0x1, s18;
	v4 =	vld [tilespmem:s24+$0x0];
	s25 =	sadd.s32 $0x0, s26  }
0x5d: {  	v3 =	vld [tilespmem:s24+$0x10];
	s23 =	smul.u32 $0x10200, s31;
	[tilespmem:s25+$0x3870 ss:$0x81] =	vst.msk $0xffff, v0  }
0x5e: {  	v2 =	vld [tilespmem:s24+$0x20];
	[tilespmem:s25+$0x810 ss:$0x81] =	vst.msk $0xffff, v1  }
0x5f: {  	s23 =	sshrl.u32 s23, $0x2;
	v0 =	vld [tilespmem:s24+$0xFFFFFFC0];
	[tilespmem:s25+$0x1020 ss:$0x81] =	vst.msk $0xffff, v5;
	s24 =	sadd.s32 $0x80, s24  }
0x60: {  	s27 =	simm.s32 $0x4;
	s28 =	simm.s32 $0x8;
	s23 =	sor.u32 $0x8000, s23;
	[tilespmem:s25+$0x1830 ss:$0x81] =	vst.msk $0xffff, v6;
	v1 =	vld [tilespmem:s24+$0x30]  }
.LBB1_3:
0x61: {  	p1 =	sne.s32 s28, $0x1FC;
	v5 =	vld [tilespmem:s24+$0xFFFFFFD0];
	[tilespmem:s25+$0x2040 ss:$0x81] =	vst.msk $0xffff, v4  }
0x62: {  	v6 =	vld [tilespmem:s24+$0xFFFFFFE0];
	[tilespmem:s25+$0x2850 ss:$0x81] =	vst.msk $0xffff, v3  }
0x63: {  	s29 =	sshra.s32 s27, $0x2;
	s27 =	smov.u32 s28;
	v7 =	vld [tilespmem:s24+$0xFFFFFFF0];
	[tilespmem:s25+$0x3060 ss:$0x81] =	vst.msk $0xffff, v2  }
.Ltmp3:
0x64: {  	v4 =	vld [tilespmem:s24+$0x0];
	[tilespmem:s25+$0x0 ss:$0x81] =	vst.msk $0xffff, v0;
	s25 =	sadd.s32 s29, s26;
	(pc) =	sbr.rel @p1 .LBB1_3-.Ltmp3, $4  }
0x65: {  	v3 =	vld [tilespmem:s24+$0x10];
	[tilespmem:s25+$0x3870 ss:$0x81] =	vst.msk $0xffff, v1  }
0x66: {  	[tilespmem:s25+$0x810 ss:$0x81] =	vst.msk $0xffff, v5;
	v2 =	vld [tilespmem:s24+$0x20]  }
0x67: {  	v0 =	vld [tilespmem:s24+$0xFFFFFFC0];
	[tilespmem:s25+$0x1020 ss:$0x81] =	vst.msk $0xffff, v6;
	s24 =	sadd.s32 $0x80, s24  }
0x68: {  	s28 =	sadd.s32 $0x4, s28;
	v1 =	vld [tilespmem:s24+$0x30];
	[tilespmem:s25+$0x1830 ss:$0x81] =	vst.msk $0xffff, v7  }
.Ltmp4:
0x69: {  	_ = 	snop;
	(pc) =	sbr.rel .LBB1_4-.Ltmp4, $1  }
0x6a: {  	_ =	sdelay $0x3  }
.LBB1_6:
0x6b: {  	_ =	sfence.sel $0x180000  }
0x6c: {  	s1 =	simm.s32 $0x1;
	[bflag:$0x0] =	sbarrier.arrive $0xFFFF  }
0x6d: {  	s31 =	simm.s32 $0x2;
	[sflag:s1] =	ssyncpa.u1 $0x1  }
0x6e: {  	[sflag:s31] =	ssyncpa.u1 $0x1  }
0x6f: {  	_ =	strace $0x9000004A  }
0x70: {  	[bflag:$0x2] =	sbarrier.arrive $0xFFFF  }
0x71: {  	p0 =	sne.s32 s0, $0x0;
	s0 =	rddreg [dreg:$0x2]  }
0x72: {  	s0 =	sadd.s32 @!p0 $0x100000, s0  }
0x73: {  	[sflag:s0] =	ssyncadd.tile.s32 @!p0 $0x1;
	_ =	shalt  }
.Lfunc_end1:
_tile_overlayer_lowered:
.L_overlay_start_2:
0x74: {  	(tag) =	ssettag $0x2  }
0x75: {  	s0 =	rddreg [dreg:$0x0];
	s2 =	stileid.u32  }
0x76: {  	s1 =	rddreg [dreg:$0x1];
	p0 =	sne.s32 s2, $0x0  }
0x77: {  	s3 =	rddreg [dreg:$0x2];
	[bflag:$0x3] =	sbarrier.arrive $0xFFFF;
	s2 =	simm.s32 @!p0 $0x1C01  }
0x78: {  	[timem:s3], [sflag:s2] =	dma.local @!p0 [hbm:s0], s1  }
0x79: {  	s0 =	simm.s32 @!p0 $0x1  }
0x7a: {  	_ =	swait.ge @!p0 [sflag:s0], s1  }
0x7b: {  	s1 =	ssub.s32 @!p0 $0x0, s1;
	[sflag:s0] =	ssyncset.done @!p0 $0x0  }
0x7c: {  	[sflag:s0] =	ssyncadd.s32 @!p0 s1  }
0x7d: {  	[bflag:$0x3] =	sbarrier.arrive $0xFFFF  }
0x7e: {  	_ =	shalt  }

</sc_bundles>
